<compile_context>
chip_gen: v7x
topology: tpu7x:2x2x1
jax: 0.10.2.dev20260603
libtpu: 0.0.44.dev20260713+nightly
codegen_flags: <defaults>
</compile_context>

<pallas_src>
import jax
import jax.numpy as jnp
from jax import lax
from jax.experimental import pallas as pl
from jax.experimental.pallas import tpu as pltpu
from jax.experimental.pallas import tpu_sc as plsc


_SEQ_BLOCK = 512
_SEQ_SPLIT = 2048
_N_WORKERS = 32
_TAB_PAD = 64


def _pack_table(table):
    tb = table.astype(jnp.bfloat16)
    half = table.shape[1] // 2
    lo = lax.bitcast_convert_type(tb[:, :half], jnp.uint16).astype(jnp.uint32)
    hi = lax.bitcast_convert_type(tb[:, half:], jnp.uint16).astype(jnp.uint32)
    return lax.bitcast_convert_type((hi << 16) | lo, jnp.int32)


def _sc_gather_rows(table, idx):
    n_idx = idx.shape[0]
    w = table.shape[1]
    per_w = n_idx // _N_WORKERS
    mesh = plsc.VectorSubcoreMesh(core_axis_name="core", subcore_axis_name="subcore")

    @pl.kernel(
        out_type=jax.ShapeDtypeStruct((n_idx, w), table.dtype),
        mesh=mesh,
        scratch_types=[
            pltpu.VMEM((per_w,), jnp.int32),
            pltpu.VMEM((per_w, w), table.dtype),
            pltpu.SemaphoreType.DMA,
        ],
    )
    def gather_kernel(tab_hbm, i_hbm, o_hbm, idx_v, rows_v, sem):
        wid = jax.lax.axis_index("subcore") * 2 + jax.lax.axis_index("core")
        base = wid * per_w
        pltpu.sync_copy(i_hbm.at[pl.ds(base, per_w)], idx_v)
        pltpu.async_copy(tab_hbm.at[idx_v], rows_v, sem).wait()
        pltpu.sync_copy(rows_v, o_hbm.at[pl.ds(base, per_w)])

    return gather_kernel(table, idx)


def _tc_head_onehot_add(x, idx3d, table_pad, d3):
    batch, seq, d = x.shape
    n_planes = idx3d.shape[0]
    bs = _SEQ_BLOCK

    def body(x_ref, idx_ref, tab_ref, o_ref):
        tab = tab_ref[...]
        iot = lax.broadcasted_iota(jnp.int32, (bs, _TAB_PAD), 1)
        for c in range(n_planes):
            idx_c = idx_ref[c, 0, :].reshape(bs, 1)
            oh_c = (idx_c == iot).astype(jnp.float32)
            pe_c = jnp.dot(oh_c, tab, preferred_element_type=jnp.float32)
            sl = slice(c * d3, (c + 1) * d3)
            for b in range(batch):
                o_ref[b, :, sl] = x_ref[b, :, sl] + pe_c

    return pl.pallas_call(
        body,
        grid=(_SEQ_SPLIT // bs,),
        in_specs=[
            pl.BlockSpec((batch, bs, d), lambda s: (0, s, 0)),
            pl.BlockSpec((n_planes, 1, bs), lambda s: (0, 0, s)),
            pl.BlockSpec((_TAB_PAD, d3), lambda s: (0, 0)),
        ],
        out_specs=pl.BlockSpec((batch, bs, d), lambda s: (0, s, 0)),
        out_shape=jax.ShapeDtypeStruct(x.shape, x.dtype),
    )(x, idx3d, table_pad)


def _tc_tail_unpack_add(out_head, x, pe_packed, d3):
    batch, seq, d = x.shape
    n_planes, _, half = pe_packed.shape
    bs = _SEQ_BLOCK
    s0 = _SEQ_SPLIT // bs

    def body(prev_ref, x_ref, pe_ref, o_ref):
        del prev_ref
        for c in range(n_planes):
            word = pe_ref[c]
            pe_lo = lax.bitcast_convert_type(word << 16, jnp.float32)
            pe_hi = lax.bitcast_convert_type(word & (-65536), jnp.float32)
            sl_lo = slice(c * d3, c * d3 + half)
            sl_hi = slice(c * d3 + half, (c + 1) * d3)
            for b in range(batch):
                o_ref[b, :, sl_lo] = x_ref[b, :, sl_lo] + pe_lo
                o_ref[b, :, sl_hi] = x_ref[b, :, sl_hi] + pe_hi

    return pl.pallas_call(
        body,
        grid=((seq - _SEQ_SPLIT) // bs,),
        in_specs=[
            pl.BlockSpec(memory_space=pl.ANY),
            pl.BlockSpec((batch, bs, d), lambda s: (0, s + s0, 0)),
            pl.BlockSpec((n_planes, bs, half), lambda s: (0, s, 0)),
        ],
        out_specs=pl.BlockSpec((batch, bs, d), lambda s: (0, s + s0, 0)),
        out_shape=jax.ShapeDtypeStruct(x.shape, x.dtype),
        input_output_aliases={0: 0},
    )(out_head, x, pe_packed)


def kernel(x, src_tgt, Wx, Wy, Wz, src_pos_x, src_pos_y, src_pos_z,
           tgt_pos_x, tgt_pos_y, tgt_pos_z):
    batch, seq, d = x.shape
    d3 = Wx.shape[1]
    n_tab = Wx.shape[0] + Wy.shape[0] + Wz.shape[0]

    table = jnp.concatenate([Wx, Wy, Wz], axis=0)
    off_y = Wx.shape[0]
    off_z = off_y + Wy.shape[0]
    idx_src = jnp.concatenate([src_pos_x, src_pos_y + off_y, src_pos_z + off_z])
    idx_tgt = jnp.concatenate(
        [tgt_pos_x[:seq], tgt_pos_y[:seq] + off_y, tgt_pos_z[:seq] + off_z])
    idx = jnp.where(src_tgt, idx_src, idx_tgt).astype(jnp.int32).reshape(3, seq)

    table_pad = jnp.pad(table, ((0, _TAB_PAD - n_tab), (0, 0)))
    idx3d = idx[:, :_SEQ_SPLIT].reshape(3, 1, _SEQ_SPLIT)

    idx_tail = idx[:, _SEQ_SPLIT:].reshape(3 * (seq - _SEQ_SPLIT))
    pe_packed = _sc_gather_rows(_pack_table(table), idx_tail)
    pe_packed = pe_packed.reshape(3, seq - _SEQ_SPLIT, d3 // 2)

    out_head = _tc_head_onehot_add(x, idx3d, table_pad, d3)
    return _tc_tail_unpack_add(out_head, x, pe_packed, d3)

# --- scband reference (transcript-rebuilt; emitter-appended) ---
"""Pipeline reference for scband-positional-embedding3-d-85169201480039 (READ-ONLY COPY).

The authoritative reference and input builder live on the scoring server;
editing this copy changes nothing except your own understanding.
"""

import jax, jax.numpy as jnp
import numpy as np

D_MODEL = 768
SRC_SHAPE = (16, 16, 16)
TGT_SHAPE = (16, 16, 16)
TGT_OFFSET = (0, 0, 0)
BATCH = 4


def _build_positions():
    # src positions: (i, j, k) over src_shape grid, raveled in C order
    gi, gj, gk = np.meshgrid(np.arange(SRC_SHAPE[0]), np.arange(SRC_SHAPE[1]), np.arange(SRC_SHAPE[2]), indexing='ij')
    src_x = gi.ravel().astype(np.int32)
    src_y = gj.ravel().astype(np.int32)
    src_z = gk.ravel().astype(np.int32)
    # tgt positions: offset grid with max_seq_len sentinel prepended
    ti, tj, tk = np.meshgrid(np.arange(TGT_SHAPE[0]), np.arange(TGT_SHAPE[1]), np.arange(TGT_SHAPE[2]), indexing='ij')
    x_max = TGT_OFFSET[0] + TGT_SHAPE[0]
    y_max = TGT_OFFSET[1] + TGT_SHAPE[1]
    z_max = TGT_OFFSET[2] + TGT_SHAPE[2]
    tgt_x = np.concatenate([[x_max], (ti.ravel() + TGT_OFFSET[0])]).astype(np.int32)
    tgt_y = np.concatenate([[y_max], (tj.ravel() + TGT_OFFSET[1])]).astype(np.int32)
    tgt_z = np.concatenate([[z_max], (tk.ravel() + TGT_OFFSET[2])]).astype(np.int32)
    return src_x, src_y, src_z, tgt_x, tgt_y, tgt_z


def setup_inputs(seed: int = 0) -> dict:
    key = jax.random.key(seed)
    kx, ky, kz, kinp = jax.random.split(key, 4)
    d3 = D_MODEL // 3
    x_max = TGT_OFFSET[0] + TGT_SHAPE[0]
    y_max = TGT_OFFSET[1] + TGT_SHAPE[1]
    z_max = TGT_OFFSET[2] + TGT_SHAPE[2]
    Wx = jax.random.normal(kx, (x_max + 1, d3), dtype=jnp.float32)
    Wy = jax.random.normal(ky, (y_max + 1, d3), dtype=jnp.float32)
    Wz = jax.random.normal(kz, (z_max + 1, d3), dtype=jnp.float32)
    seq_len = SRC_SHAPE[0] * SRC_SHAPE[1] * SRC_SHAPE[2]
    x = jax.random.normal(kinp, (BATCH, seq_len, D_MODEL), dtype=jnp.float32)
    src_x, src_y, src_z, tgt_x, tgt_y, tgt_z = _build_positions()
    return {
        'x': x,
        'src_tgt': True,
        'Wx': Wx, 'Wy': Wy, 'Wz': Wz,
        'src_pos_x': jnp.asarray(src_x), 'src_pos_y': jnp.asarray(src_y), 'src_pos_z': jnp.asarray(src_z),
        'tgt_pos_x': jnp.asarray(tgt_x), 'tgt_pos_y': jnp.asarray(tgt_y), 'tgt_pos_z': jnp.asarray(tgt_z),
    }


def reference(x, src_tgt, Wx, Wy, Wz, src_pos_x, src_pos_y, src_pos_z, tgt_pos_x, tgt_pos_y, tgt_pos_z):
    S = x.shape[1]
    pe_src = jnp.concatenate([
        jnp.take(Wx, src_pos_x, axis=0),
        jnp.take(Wy, src_pos_y, axis=0),
        jnp.take(Wz, src_pos_z, axis=0),
    ], axis=-1)
    pe_tgt = jnp.concatenate([
        jnp.take(Wx, tgt_pos_x[:S], axis=0),
        jnp.take(Wy, tgt_pos_y[:S], axis=0),
        jnp.take(Wz, tgt_pos_z[:S], axis=0),
    ], axis=-1)
    pe = jnp.where(src_tgt, pe_src, pe_tgt)
    return x + pe

if __name__ == "__main__":
    import jax
    _d = setup_inputs()
    print(jax.jit(kernel)(*tuple(_d.values())))

</pallas_src>

<mosaic_0001>
#map = affine_map<(d0, d1) -> (0, 0)>
#map1 = affine_map<(d0, d1) -> (0)>
module attributes {stable_mosaic.version = 14 : i64} {
  func.func @gather_kernel(%arg0: i32, %arg1: i32, %arg2: memref<51x128xi32, #tpu.memory_space<hbm>>, %arg3: memref<6144xi32, #tpu.memory_space<hbm>>, %arg4: memref<6144x128xi32, #tpu.memory_space<hbm>>, %arg5: memref<192xi32, #tpu.memory_space<vmem>>, %arg6: memref<192x128xi32, #tpu.memory_space<vmem>>, %arg7: memref<!tpu.dma_semaphore, #tpu.memory_space<semaphore_mem>>) attributes {dimension_semantics = [#tpu.dimension_semantics<core_parallel>, #tpu.dimension_semantics<subcore_parallel>], iteration_bounds = array<i64: 2, 16>, scalar_prefetch = 0 : i64, scratch_operands = 3 : i64, tpu.core_type = #tpu.core_type<sc_vector_subcore>, window_params = [{transform_indices = #map}, {transform_indices = #map1}, {transform_indices = #map}]} {
    %mul3A = arith.constant 2 : i32
    %mul3A_0 = arith.muli %arg1, %mul3A : i32
    %add3A = arith.addi %mul3A_0, %arg0 : i32
    %mul3A_1 = arith.constant 192 : i32
    %mul3A_2 = arith.muli %add3A, %mul3A_1 : i32
    "tpu.region"() ({
      %run_scoped3A = tpu.sem_alloc : memref<!tpu.dma_semaphore, #tpu.memory_space<semaphore_mem>>
      %dma_start3A_7 = tpu.memref_slice %arg3[%mul3A_2] : memref<6144xi32, #tpu.memory_space<hbm>> -> memref<192xi32, #tpu.memory_space<hbm>>
      %dma_start3A_8 = tpu.memref_slice %arg3[%mul3A_2] : memref<6144xi32, #tpu.memory_space<hbm>> -> memref<192xi32, #tpu.memory_space<hbm>>
      tpu.enqueue_dma source(%dma_start3A_8 : memref<192xi32, #tpu.memory_space<hbm>>) target(%arg5 : memref<192xi32, #tpu.memory_space<vmem>>) target_semaphore(%run_scoped3A : memref<!tpu.dma_semaphore, #tpu.memory_space<semaphore_mem>>)
      %dma_wait3A_9 = tpu.memref_slice %arg3[%mul3A_2] : memref<6144xi32, #tpu.memory_space<hbm>> -> memref<192xi32, #tpu.memory_space<hbm>>
      %dma_wait3A_10 = tpu.memref_slice %arg3[%mul3A_2] : memref<6144xi32, #tpu.memory_space<hbm>> -> memref<192xi32, #tpu.memory_space<hbm>>
      tpu.wait_dma2 semaphore(%run_scoped3A : memref<!tpu.dma_semaphore, #tpu.memory_space<semaphore_mem>>) src(%dma_wait3A_10 : memref<192xi32, #tpu.memory_space<hbm>>) dst(%arg5 : memref<192xi32, #tpu.memory_space<vmem>>)
      tpu.yield
    }) : () -> ()
    %dma_start3A = arith.constant 0 : i32
    %dma_start3A_3 = arith.constant 0 : i32
    %dma_start3A_4 = tpu.memref_slice %arg2[%dma_start3A, %dma_start3A_3] : memref<51x128xi32, #tpu.memory_space<hbm>> -> memref<51x128xi32, #tpu.memory_space<hbm>>
    tpu.enqueue_indirect_dma source(%dma_start3A_4 : memref<51x128xi32, #tpu.memory_space<hbm>>) target(%arg6 : memref<192x128xi32, #tpu.memory_space<vmem>>) offsets(%arg5 : memref<192xi32, #tpu.memory_space<vmem>>) semaphore(%arg7 : memref<!tpu.dma_semaphore, #tpu.memory_space<semaphore_mem>>)
    %dma_wait3A = arith.constant 0 : i32
    %dma_wait3A_5 = arith.constant 0 : i32
    %dma_wait3A_6 = tpu.memref_slice %arg2[%dma_wait3A, %dma_wait3A_5] : memref<51x128xi32, #tpu.memory_space<hbm>> -> memref<51x128xi32, #tpu.memory_space<hbm>>
    tpu.wait_indirect_dma semaphore(%arg7 : memref<!tpu.dma_semaphore, #tpu.memory_space<semaphore_mem>>) src(%dma_wait3A_6 : memref<51x128xi32, #tpu.memory_space<hbm>>) dst(%arg6 : memref<192x128xi32, #tpu.memory_space<vmem>>)
    "tpu.region"() ({
      %run_scoped3A = tpu.sem_alloc : memref<!tpu.dma_semaphore, #tpu.memory_space<semaphore_mem>>
      %dma_start3A_7 = arith.constant 0 : i32
      %dma_start3A_8 = tpu.memref_slice %arg4[%mul3A_2, %dma_start3A_7] : memref<6144x128xi32, #tpu.memory_space<hbm>> -> memref<192x128xi32, #tpu.memory_space<hbm>>
      %dma_start3A_9 = arith.constant 0 : i32
      %dma_start3A_10 = tpu.memref_slice %arg4[%mul3A_2, %dma_start3A_9] : memref<6144x128xi32, #tpu.memory_space<hbm>> -> memref<192x128xi32, #tpu.memory_space<hbm>>
      tpu.enqueue_dma source(%arg6 : memref<192x128xi32, #tpu.memory_space<vmem>>) target(%dma_start3A_10 : memref<192x128xi32, #tpu.memory_space<hbm>>) target_semaphore(%run_scoped3A : memref<!tpu.dma_semaphore, #tpu.memory_space<semaphore_mem>>)
      %dma_wait3A_11 = arith.constant 0 : i32
      %dma_wait3A_12 = tpu.memref_slice %arg4[%mul3A_2, %dma_wait3A_11] : memref<6144x128xi32, #tpu.memory_space<hbm>> -> memref<192x128xi32, #tpu.memory_space<hbm>>
      %dma_wait3A_13 = arith.constant 0 : i32
      %dma_wait3A_14 = tpu.memref_slice %arg4[%mul3A_2, %dma_wait3A_13] : memref<6144x128xi32, #tpu.memory_space<hbm>> -> memref<192x128xi32, #tpu.memory_space<hbm>>
      tpu.wait_dma2 semaphore(%run_scoped3A : memref<!tpu.dma_semaphore, #tpu.memory_space<semaphore_mem>>) src(%arg6 : memref<192x128xi32, #tpu.memory_space<vmem>>) dst(%dma_wait3A_14 : memref<192x128xi32, #tpu.memory_space<hbm>>)
      tpu.yield
    }) : () -> ()
    return
  }
}

module attributes {stable_mosaic.version = 14 : i64} {
  func.func @body(%arg0: i32, %arg1: memref<4x4096x768xf32, #tpu.memory_space<any>>, %arg2: memref<4x512x768xf32, #tpu.memory_space<vmem>>, %arg3: memref<3x512x128xi32, #tpu.memory_space<vmem>>, %arg4: memref<4x512x768xf32, #tpu.memory_space<vmem>>) attributes {dimension_semantics = [#tpu.dimension_semantics<arbitrary>], iteration_bounds = array<i64: 4>, scalar_prefetch = 0 : i64, scratch_operands = 0 : i64, tpu.core_type = #tpu.core_type<tc>, window_params = [{}, {transform_indices = @transform_1, window_bounds = array<i64: 4, 512, 768>}, {transform_indices = @transform_2, window_bounds = array<i64: 3, 512, 128>}, {transform_indices = @transform_3, window_bounds = array<i64: 4, 512, 768>}]} {
    %get3A = arith.constant 0 : index
    %get3A_0 = arith.constant 0 : index
    %get3A_1 = arith.constant 0 : index
    %get3A_2 = vector.load %arg3[%get3A, %get3A_0, %get3A_1] : memref<3x512x128xi32, #tpu.memory_space<vmem>>, vector<1x512x128xi32>
    %get3A_3 = vector.shape_cast %get3A_2 : vector<1x512x128xi32> to vector<512x128xi32>
    %shift_left3A = arith.constant 16 : i32
    %shift_left3A_4 = vector.broadcast %shift_left3A : i32 to vector<512x128xi32>
    %shift_left3A_5 = arith.shli %get3A_3, %shift_left3A_4 : vector<512x128xi32>
    %bitcast_convert_type3A = tpu.bitcast %shift_left3A_5 : vector<512x128xi32> -> vector<512x128xf32>
    %and3A = arith.constant -65536 : i32
    %and3A_6 = vector.broadcast %and3A : i32 to vector<512x128xi32>
    %and3A_7 = arith.andi %get3A_3, %and3A_6 : vector<512x128xi32>
    %bitcast_convert_type3A_8 = tpu.bitcast %and3A_7 : vector<512x128xi32> -> vector<512x128xf32>
    %get3A_9 = arith.constant 0 : index
    %get3A_10 = arith.constant 0 : index
    %get3A_11 = arith.constant 0 : index
    %get3A_12 = vector.load %arg2[%get3A_9, %get3A_10, %get3A_11] : memref<4x512x768xf32, #tpu.memory_space<vmem>>, vector<1x512x128xf32>
    %get3A_13 = vector.shape_cast %get3A_12 : vector<1x512x128xf32> to vector<512x128xf32>
    %add3A = arith.addf %get3A_13, %bitcast_convert_type3A : vector<512x128xf32>
    %swap3A = arith.constant 0 : index
    %swap3A_14 = arith.constant 0 : index
    %swap3A_15 = arith.constant 0 : index
    %swap3A_16 = vector.load %arg4[%swap3A, %swap3A_14, %swap3A_15] : memref<4x512x768xf32, #tpu.memory_space<vmem>>, vector<1x512x128xf32>
    %swap3A_17 = vector.shape_cast %swap3A_16 : vector<1x512x128xf32> to vector<512x128xf32>
    %swap3A_18 = vector.shape_cast %add3A : vector<512x128xf32> to vector<1x512x128xf32>
    tpu.vector_store %arg4[%swap3A, %swap3A_14, %swap3A_15], %swap3A_18 {strides = array<i32>} : memref<4x512x768xf32, #tpu.memory_space<vmem>>, vector<1x512x128xf32>,
    %get3A_19 = arith.constant 0 : index
    %get3A_20 = arith.constant 0 : index
    %get3A_21 = arith.constant 128 : index
    %get3A_22 = vector.load %arg2[%get3A_19, %get3A_20, %get3A_21] : memref<4x512x768xf32, #tpu.memory_space<vmem>>, vector<1x512x128xf32>
    %get3A_23 = vector.shape_cast %get3A_22 : vector<1x512x128xf32> to vector<512x128xf32>
    %add3A_24 = arith.addf %get3A_23, %bitcast_convert_type3A_8 : vector<512x128xf32>
    %swap3A_25 = arith.constant 0 : index
    %swap3A_26 = arith.constant 0 : index
    %swap3A_27 = arith.constant 128 : index
    %swap3A_28 = vector.load %arg4[%swap3A_25, %swap3A_26, %swap3A_27] : memref<4x512x768xf32, #tpu.memory_space<vmem>>, vector<1x512x128xf32>
    %swap3A_29 = vector.shape_cast %swap3A_28 : vector<1x512x128xf32> to vector<512x128xf32>
    %swap3A_30 = vector.shape_cast %add3A_24 : vector<512x128xf32> to vector<1x512x128xf32>
    tpu.vector_store %arg4[%swap3A_25, %swap3A_26, %swap3A_27], %swap3A_30 {strides = array<i32>} : memref<4x512x768xf32, #tpu.memory_space<vmem>>, vector<1x512x128xf32>,
    %get3A_31 = arith.constant 1 : index
    %get3A_32 = arith.constant 0 : index
    %get3A_33 = arith.constant 0 : index
    %get3A_34 = vector.load %arg2[%get3A_31, %get3A_32, %get3A_33] : memref<4x512x768xf32, #tpu.memory_space<vmem>>, vector<1x512x128xf32>
    %get3A_35 = vector.shape_cast %get3A_34 : vector<1x512x128xf32> to vector<512x128xf32>
    %add3A_36 = arith.addf %get3A_35, %bitcast_convert_type3A : vector<512x128xf32>
    %swap3A_37 = arith.constant 1 : index
    %swap3A_38 = arith.constant 0 : index
    %swap3A_39 = arith.constant 0 : index
    %swap3A_40 = vector.load %arg4[%swap3A_37, %swap3A_38, %swap3A_39] : memref<4x512x768xf32, #tpu.memory_space<vmem>>, vector<1x512x128xf32>
    %swap3A_41 = vector.shape_cast %swap3A_40 : vector<1x512x128xf32> to vector<512x128xf32>
    %swap3A_42 = vector.shape_cast %add3A_36 : vector<512x128xf32> to vector<1x512x128xf32>
    tpu.vector_store %arg4[%swap3A_37, %swap3A_38, %swap3A_39], %swap3A_42 {strides = array<i32>} : memref<4x512x768xf32, #tpu.memory_space<vmem>>, vector<1x512x128xf32>,
    %get3A_43 = arith.constant 1 : index
    %get3A_44 = arith.constant 0 : index
    %get3A_45 = arith.constant 128 : index
    %get3A_46 = vector.load %arg2[%get3A_43, %get3A_44, %get3A_45] : memref<4x512x768xf32, #tpu.memory_space<vmem>>, vector<1x512x128xf32>
    %get3A_47 = vector.shape_cast %get3A_46 : vector<1x512x128xf32> to vector<512x128xf32>
    %add3A_48 = arith.addf %get3A_47, %bitcast_convert_type3A_8 : vector<512x128xf32>
    %swap3A_49 = arith.constant 1 : index
    %swap3A_50 = arith.constant 0 : index
    %swap3A_51 = arith.constant 128 : index
    %swap3A_52 = vector.load %arg4[%swap3A_49, %swap3A_50, %swap3A_51] : memref<4x512x768xf32, #tpu.memory_space<vmem>>, vector<1x512x128xf32>
    %swap3A_53 = vector.shape_cast %swap3A_52 : vector<1x512x128xf32> to vector<512x128xf32>
    %swap3A_54 = vector.shape_cast %add3A_48 : vector<512x128xf32> to vector<1x512x128xf32>
    tpu.vector_store %arg4[%swap3A_49, %swap3A_50, %swap3A_51], %swap3A_54 {strides = array<i32>} : memref<4x512x768xf32, #tpu.memory_space<vmem>>, vector<1x512x128xf32>,
    %get3A_55 = arith.constant 2 : index
    %get3A_56 = arith.constant 0 : index
    %get3A_57 = arith.constant 0 : index
    %get3A_58 = vector.load %arg2[%get3A_55, %get3A_56, %get3A_57] : memref<4x512x768xf32, #tpu.memory_space<vmem>>, vector<1x512x128xf32>
    %get3A_59 = vector.shape_cast %get3A_58 : vector<1x512x128xf32> to vector<512x128xf32>
    %add3A_60 = arith.addf %get3A_59, %bitcast_convert_type3A : vector<512x128xf32>
    %swap3A_61 = arith.constant 2 : index
    %swap3A_62 = arith.constant 0 : index
    %swap3A_63 = arith.constant 0 : index
    %swap3A_64 = vector.load %arg4[%swap3A_61, %swap3A_62, %swap3A_63] : memref<4x512x768xf32, #tpu.memory_space<vmem>>, vector<1x512x128xf32>
    %swap3A_65 = vector.shape_cast %swap3A_64 : vector<1x512x128xf32> to vector<512x128xf32>
    %swap3A_66 = vector.shape_cast %add3A_60 : vector<512x128xf32> to vector<1x512x128xf32>
    tpu.vector_store %arg4[%swap3A_61, %swap3A_62, %swap3A_63], %swap3A_66 {strides = array<i32>} : memref<4x512x768xf32, #tpu.memory_space<vmem>>, vector<1x512x128xf32>,
    %get3A_67 = arith.constant 2 : index
    %get3A_68 = arith.constant 0 : index
    %get3A_69 = arith.constant 128 : index
    %get3A_70 = vector.load %arg2[%get3A_67, %get3A_68, %get3A_69] : memref<4x512x768xf32, #tpu.memory_space<vmem>>, vector<1x512x128xf32>
    %get3A_71 = vector.shape_cast %get3A_70 : vector<1x512x128xf32> to vector<512x128xf32>
    %add3A_72 = arith.addf %get3A_71, %bitcast_convert_type3A_8 : vector<512x128xf32>
    %swap3A_73 = arith.constant 2 : index
    %swap3A_74 = arith.constant 0 : index
    %swap3A_75 = arith.constant 128 : index
    %swap3A_76 = vector.load %arg4[%swap3A_73, %swap3A_74, %swap3A_75] : memref<4x512x768xf32, #tpu.memory_space<vmem>>, vector<1x512x128xf32>
    %swap3A_77 = vector.shape_cast %swap3A_76 : vector<1x512x128xf32> to vector<512x128xf32>
    %swap3A_78 = vector.shape_cast %add3A_72 : vector<512x128xf32> to vector<1x512x128xf32>
    tpu.vector_store %arg4[%swap3A_73, %swap3A_74, %swap3A_75], %swap3A_78 {strides = array<i32>} : memref<4x512x768xf32, #tpu.memory_space<vmem>>, vector<1x512x128xf32>,
    %get3A_79 = arith.constant 3 : index
    %get3A_80 = arith.constant 0 : index
    %get3A_81 = arith.constant 0 : index
    %get3A_82 = vector.load %arg2[%get3A_79, %get3A_80, %get3A_81] : memref<4x512x768xf32, #tpu.memory_space<vmem>>, vector<1x512x128xf32>
    %get3A_83 = vector.shape_cast %get3A_82 : vector<1x512x128xf32> to vector<512x128xf32>
    %add3A_84 = arith.addf %get3A_83, %bitcast_convert_type3A : vector<512x128xf32>
    %swap3A_85 = arith.constant 3 : index
    %swap3A_86 = arith.constant 0 : index
    %swap3A_87 = arith.constant 0 : index
    %swap3A_88 = vector.load %arg4[%swap3A_85, %swap3A_86, %swap3A_87] : memref<4x512x768xf32, #tpu.memory_space<vmem>>, vector<1x512x128xf32>
    %swap3A_89 = vector.shape_cast %swap3A_88 : vector<1x512x128xf32> to vector<512x128xf32>
    %swap3A_90 = vector.shape_cast %add3A_84 : vector<512x128xf32> to vector<1x512x128xf32>
    tpu.vector_store %arg4[%swap3A_85, %swap3A_86, %swap3A_87], %swap3A_90 {strides = array<i32>} : memref<4x512x768xf32, #tpu.memory_space<vmem>>, vector<1x512x128xf32>,
    %get3A_91 = arith.constant 3 : index
    %get3A_92 = arith.constant 0 : index
    %get3A_93 = arith.constant 128 : index
    %get3A_94 = vector.load %arg2[%get3A_91, %get3A_92, %get3A_93] : memref<4x512x768xf32, #tpu.memory_space<vmem>>, vector<1x512x128xf32>
    %get3A_95 = vector.shape_cast %get3A_94 : vector<1x512x128xf32> to vector<512x128xf32>
    %add3A_96 = arith.addf %get3A_95, %bitcast_convert_type3A_8 : vector<512x128xf32>
    %swap3A_97 = arith.constant 3 : index
    %swap3A_98 = arith.constant 0 : index
    %swap3A_99 = arith.constant 128 : index
    %swap3A_100 = vector.load %arg4[%swap3A_97, %swap3A_98, %swap3A_99] : memref<4x512x768xf32, #tpu.memory_space<vmem>>, vector<1x512x128xf32>
    %swap3A_101 = vector.shape_cast %swap3A_100 : vector<1x512x128xf32> to vector<512x128xf32>
    %swap3A_102 = vector.shape_cast %add3A_96 : vector<512x128xf32> to vector<1x512x128xf32>
    tpu.vector_store %arg4[%swap3A_97, %swap3A_98, %swap3A_99], %swap3A_102 {strides = array<i32>} : memref<4x512x768xf32, #tpu.memory_space<vmem>>, vector<1x512x128xf32>,
    %get3A_103 = arith.constant 1 : index
    %get3A_104 = arith.constant 0 : index
    %get3A_105 = arith.constant 0 : index
    %get3A_106 = vector.load %arg3[%get3A_103, %get3A_104, %get3A_105] : memref<3x512x128xi32, #tpu.memory_space<vmem>>, vector<1x512x128xi32>
    %get3A_107 = vector.shape_cast %get3A_106 : vector<1x512x128xi32> to vector<512x128xi32>
    %shift_left3A_108 = arith.constant 16 : i32
    %shift_left3A_109 = vector.broadcast %shift_left3A_108 : i32 to vector<512x128xi32>
    %shift_left3A_110 = arith.shli %get3A_107, %shift_left3A_109 : vector<512x128xi32>
    %bitcast_convert_type3A_111 = tpu.bitcast %shift_left3A_110 : vector<512x128xi32> -> vector<512x128xf32>
    %and3A_112 = arith.constant -65536 : i32
    %and3A_113 = vector.broadcast %and3A_112 : i32 to vector<512x128xi32>
    %and3A_114 = arith.andi %get3A_107, %and3A_113 : vector<512x128xi32>
    %bitcast_convert_type3A_115 = tpu.bitcast %and3A_114 : vector<512x128xi32> -> vector<512x128xf32>
    %get3A_116 = arith.constant 0 : index
    %get3A_117 = arith.constant 0 : index
    %get3A_118 = arith.constant 256 : index
    %get3A_119 = vector.load %arg2[%get3A_116, %get3A_117, %get3A_118] : memref<4x512x768xf32, #tpu.memory_space<vmem>>, vector<1x512x128xf32>
    %get3A_120 = vector.shape_cast %get3A_119 : vector<1x512x128xf32> to vector<512x128xf32>
    %add3A_121 = arith.addf %get3A_120, %bitcast_convert_type3A_111 : vector<512x128xf32>
    %swap3A_122 = arith.constant 0 : index
    %swap3A_123 = arith.constant 0 : index
    %swap3A_124 = arith.constant 256 : index
    %swap3A_125 = vector.load %arg4[%swap3A_122, %swap3A_123, %swap3A_124] : memref<4x512x768xf32, #tpu.memory_space<vmem>>, vector<1x512x128xf32>
    %swap3A_126 = vector.shape_cast %swap3A_125 : vector<1x512x128xf32> to vector<512x128xf32>
    %swap3A_127 = vector.shape_cast %add3A_121 : vector<512x128xf32> to vector<1x512x128xf32>
    tpu.vector_store %arg4[%swap3A_122, %swap3A_123, %swap3A_124], %swap3A_127 {strides = array<i32>} : memref<4x512x768xf32, #tpu.memory_space<vmem>>, vector<1x512x128xf32>,
    %get3A_128 = arith.constant 0 : index
    %get3A_129 = arith.constant 0 : index
    %get3A_130 = arith.constant 384 : index
    %get3A_131 = vector.load %arg2[%get3A_128, %get3A_129, %get3A_130] : memref<4x512x768xf32, #tpu.memory_space<vmem>>, vector<1x512x128xf32>
    %get3A_132 = vector.shape_cast %get3A_131 : vector<1x512x128xf32> to vector<512x128xf32>
    %add3A_133 = arith.addf %get3A_132, %bitcast_convert_type3A_115 : vector<512x128xf32>
    %swap3A_134 = arith.constant 0 : index
    %swap3A_135 = arith.constant 0 : index
    %swap3A_136 = arith.constant 384 : index
    %swap3A_137 = vector.load %arg4[%swap3A_134, %swap3A_135, %swap3A_136] : memref<4x512x768xf32, #tpu.memory_space<vmem>>, vector<1x512x128xf32>
    %swap3A_138 = vector.shape_cast %swap3A_137 : vector<1x512x128xf32> to vector<512x128xf32>
    %swap3A_139 = vector.shape_cast %add3A_133 : vector<512x128xf32> to vector<1x512x128xf32>
    tpu.vector_store %arg4[%swap3A_134, %swap3A_135, %swap3A_136], %swap3A_139 {strides = array<i32>} : memref<4x512x768xf32, #tpu.memory_space<vmem>>, vector<1x512x128xf32>,
    %get3A_140 = arith.constant 1 : index
    %get3A_141 = arith.constant 0 : index
    %get3A_142 = arith.constant 256 : index
    %get3A_143 = vector.load %arg2[%get3A_140, %get3A_141, %get3A_142] : memref<4x512x768xf32, #tpu.memory_space<vmem>>, vector<1x512x128xf32>
    %get3A_144 = vector.shape_cast %get3A_143 : vector<1x512x128xf32> to vector<512x128xf32>
    %add3A_145 = arith.addf %get3A_144, %bitcast_convert_type3A_111 : vector<512x128xf32>
    %swap3A_146 = arith.constant 1 : index
    %swap3A_147 = arith.constant 0 : index
    %swap3A_148 = arith.constant 256 : index
    %swap3A_149 = vector.load %arg4[%swap3A_146, %swap3A_147, %swap3A_148] : memref<4x512x768xf32, #tpu.memory_space<vmem>>, vector<1x512x128xf32>
    %swap3A_150 = vector.shape_cast %swap3A_149 : vector<1x512x128xf32> to vector<512x128xf32>
    %swap3A_151 = vector.shape_cast %add3A_145 : vector<512x128xf32> to vector<1x512x128xf32>
    tpu.vector_store %arg4[%swap3A_146, %swap3A_147, %swap3A_148], %swap3A_151 {strides = array<i32>} : memref<4x512x768xf32, #tpu.memory_space<vmem>>, vector<1x512x128xf32>,
    %get3A_152 = arith.constant 1 : index
    %get3A_153 = arith.constant 0 : index
    %get3A_154 = arith.constant 384 : index
    %get3A_155 = vector.load %arg2[%get3A_152, %get3A_153, %get3A_154] : memref<4x512x768xf32, #tpu.memory_space<vmem>>, vector<1x512x128xf32>
    %get3A_156 = vector.shape_cast %get3A_155 : vector<1x512x128xf32> to vector<512x128xf32>
    %add3A_157 = arith.addf %get3A_156, %bitcast_convert_type3A_115 : vector<512x128xf32>
    %swap3A_158 = arith.constant 1 : index
    %swap3A_159 = arith.constant 0 : index
    %swap3A_160 = arith.constant 384 : index
    %swap3A_161 = vector.load %arg4[%swap3A_158, %swap3A_159, %swap3A_160] : memref<4x512x768xf32, #tpu.memory_space<vmem>>, vector<1x512x128xf32>
    %swap3A_162 = vector.shape_cast %swap3A_161 : vector<1x512x128xf32> to vector<512x128xf32>
    %swap3A_163 = vector.shape_cast %add3A_157 : vector<512x128xf32> to vector<1x512x128xf32>
    tpu.vector_store %arg4[%swap3A_158, %swap3A_159, %swap3A_160], %swap3A_163 {strides = array<i32>} : memref<4x512x768xf32, #tpu.memory_space<vmem>>, vector<1x512x128xf32>,
    %get3A_164 = arith.constant 2 : index
    %get3A_165 = arith.constant 0 : index
    %get3A_166 = arith.constant 256 : index
    %get3A_167 = vector.load %arg2[%get3A_164, %get3A_165, %get3A_166] : memref<4x512x768xf32, #tpu.memory_space<vmem>>, vector<1x512x128xf32>
    %get3A_168 = vector.shape_cast %get3A_167 : vector<1x512x128xf32> to vector<512x128xf32>
    %add3A_169 = arith.addf %get3A_168, %bitcast_convert_type3A_111 : vector<512x128xf32>
    %swap3A_170 = arith.constant 2 : index
    %swap3A_171 = arith.constant 0 : index
    %swap3A_172 = arith.constant 256 : index
    %swap3A_173 = vector.load %arg4[%swap3A_170, %swap3A_171, %swap3A_172] : memref<4x512x768xf32, #tpu.memory_space<vmem>>, vector<1x512x128xf32>
    %swap3A_174 = vector.shape_cast %swap3A_173 : vector<1x512x128xf32> to vector<512x128xf32>
    %swap3A_175 = vector.shape_cast %add3A_169 : vector<512x128xf32> to vector<1x512x128xf32>
    tpu.vector_store %arg4[%swap3A_170, %swap3A_171, %swap3A_172], %swap3A_175 {strides = array<i32>} : memref<4x512x768xf32, #tpu.memory_space<vmem>>, vector<1x512x128xf32>,
    %get3A_176 = arith.constant 2 : index
    %get3A_177 = arith.constant 0 : index
    %get3A_178 = arith.constant 384 : index
    %get3A_179 = vector.load %arg2[%get3A_176, %get3A_177, %get3A_178] : memref<4x512x768xf32, #tpu.memory_space<vmem>>, vector<1x512x128xf32>
    %get3A_180 = vector.shape_cast %get3A_179 : vector<1x512x128xf32> to vector<512x128xf32>
    %add3A_181 = arith.addf %get3A_180, %bitcast_convert_type3A_115 : vector<512x128xf32>
    %swap3A_182 = arith.constant 2 : index
    %swap3A_183 = arith.constant 0 : index
    %swap3A_184 = arith.constant 384 : index
    %swap3A_185 = vector.load %arg4[%swap3A_182, %swap3A_183, %swap3A_184] : memref<4x512x768xf32, #tpu.memory_space<vmem>>, vector<1x512x128xf32>
    %swap3A_186 = vector.shape_cast %swap3A_185 : vector<1x512x128xf32> to vector<512x128xf32>
    %swap3A_187 = vector.shape_cast %add3A_181 : vector<512x128xf32> to vector<1x512x128xf32>
    tpu.vector_store %arg4[%swap3A_182, %swap3A_183, %swap3A_184], %swap3A_187 {strides = array<i32>} : memref<4x512x768xf32, #tpu.memory_space<vmem>>, vector<1x512x128xf32>,
    %get3A_188 = arith.constant 3 : index
    %get3A_189 = arith.constant 0 : index
    %get3A_190 = arith.constant 256 : index
    %get3A_191 = vector.load %arg2[%get3A_188, %get3A_189, %get3A_190] : memref<4x512x768xf32, #tpu.memory_space<vmem>>, vector<1x512x128xf32>
    %get3A_192 = vector.shape_cast %get3A_191 : vector<1x512x128xf32> to vector<512x128xf32>
    %add3A_193 = arith.addf %get3A_192, %bitcast_convert_type3A_111 : vector<512x128xf32>
    %swap3A_194 = arith.constant 3 : index
    %swap3A_195 = arith.constant 0 : index
    %swap3A_196 = arith.constant 256 : index
    %swap3A_197 = vector.load %arg4[%swap3A_194, %swap3A_195, %swap3A_196] : memref<4x512x768xf32, #tpu.memory_space<vmem>>, vector<1x512x128xf32>
    %swap3A_198 = vector.shape_cast %swap3A_197 : vector<1x512x128xf32> to vector<512x128xf32>
    %swap3A_199 = vector.shape_cast %add3A_193 : vector<512x128xf32> to vector<1x512x128xf32>
    tpu.vector_store %arg4[%swap3A_194, %swap3A_195, %swap3A_196], %swap3A_199 {strides = array<i32>} : memref<4x512x768xf32, #tpu.memory_space<vmem>>, vector<1x512x128xf32>,
    %get3A_200 = arith.constant 3 : index
    %get3A_201 = arith.constant 0 : index
    %get3A_202 = arith.constant 384 : index
    %get3A_203 = vector.load %arg2[%get3A_200, %get3A_201, %get3A_202] : memref<4x512x768xf32, #tpu.memory_space<vmem>>, vector<1x512x128xf32>
    %get3A_204 = vector.shape_cast %get3A_203 : vector<1x512x128xf32> to vector<512x128xf32>
    %add3A_205 = arith.addf %get3A_204, %bitcast_convert_type3A_115 : vector<512x128xf32>
    %swap3A_206 = arith.constant 3 : index
    %swap3A_207 = arith.constant 0 : index
    %swap3A_208 = arith.constant 384 : index
    %swap3A_209 = vector.load %arg4[%swap3A_206, %swap3A_207, %swap3A_208] : memref<4x512x768xf32, #tpu.memory_space<vmem>>, vector<1x512x128xf32>
    %swap3A_210 = vector.shape_cast %swap3A_209 : vector<1x512x128xf32> to vector<512x128xf32>
    %swap3A_211 = vector.shape_cast %add3A_205 : vector<512x128xf32> to vector<1x512x128xf32>
    tpu.vector_store %arg4[%swap3A_206, %swap3A_207, %swap3A_208], %swap3A_211 {strides = array<i32>} : memref<4x512x768xf32, #tpu.memory_space<vmem>>, vector<1x512x128xf32>,
    %get3A_212 = arith.constant 2 : index
    %get3A_213 = arith.constant 0 : index
    %get3A_214 = arith.constant 0 : index
    %get3A_215 = vector.load %arg3[%get3A_212, %get3A_213, %get3A_214] : memref<3x512x128xi32, #tpu.memory_space<vmem>>, vector<1x512x128xi32>
    %get3A_216 = vector.shape_cast %get3A_215 : vector<1x512x128xi32> to vector<512x128xi32>
    %shift_left3A_217 = arith.constant 16 : i32
    %shift_left3A_218 = vector.broadcast %shift_left3A_217 : i32 to vector<512x128xi32>
    %shift_left3A_219 = arith.shli %get3A_216, %shift_left3A_218 : vector<512x128xi32>
    %bitcast_convert_type3A_220 = tpu.bitcast %shift_left3A_219 : vector<512x128xi32> -> vector<512x128xf32>
    %and3A_221 = arith.constant -65536 : i32
    %and3A_222 = vector.broadcast %and3A_221 : i32 to vector<512x128xi32>
    %and3A_223 = arith.andi %get3A_216, %and3A_222 : vector<512x128xi32>
    %bitcast_convert_type3A_224 = tpu.bitcast %and3A_223 : vector<512x128xi32> -> vector<512x128xf32>
    %get3A_225 = arith.constant 0 : index
    %get3A_226 = arith.constant 0 : index
    %get3A_227 = arith.constant 512 : index
    %get3A_228 = vector.load %arg2[%get3A_225, %get3A_226, %get3A_227] : memref<4x512x768xf32, #tpu.memory_space<vmem>>, vector<1x512x128xf32>
    %get3A_229 = vector.shape_cast %get3A_228 : vector<1x512x128xf32> to vector<512x128xf32>
    %add3A_230 = arith.addf %get3A_229, %bitcast_convert_type3A_220 : vector<512x128xf32>
    %swap3A_231 = arith.constant 0 : index
    %swap3A_232 = arith.constant 0 : index
    %swap3A_233 = arith.constant 512 : index
    %swap3A_234 = vector.load %arg4[%swap3A_231, %swap3A_232, %swap3A_233] : memref<4x512x768xf32, #tpu.memory_space<vmem>>, vector<1x512x128xf32>
    %swap3A_235 = vector.shape_cast %swap3A_234 : vector<1x512x128xf32> to vector<512x128xf32>
    %swap3A_236 = vector.shape_cast %add3A_230 : vector<512x128xf32> to vector<1x512x128xf32>
    tpu.vector_store %arg4[%swap3A_231, %swap3A_232, %swap3A_233], %swap3A_236 {strides = array<i32>} : memref<4x512x768xf32, #tpu.memory_space<vmem>>, vector<1x512x128xf32>,
    %get3A_237 = arith.constant 0 : index
    %get3A_238 = arith.constant 0 : index
    %get3A_239 = arith.constant 640 : index
    %get3A_240 = vector.load %arg2[%get3A_237, %get3A_238, %get3A_239] : memref<4x512x768xf32, #tpu.memory_space<vmem>>, vector<1x512x128xf32>
    %get3A_241 = vector.shape_cast %get3A_240 : vector<1x512x128xf32> to vector<512x128xf32>
    %add3A_242 = arith.addf %get3A_241, %bitcast_convert_type3A_224 : vector<512x128xf32>
    %swap3A_243 = arith.constant 0 : index
    %swap3A_244 = arith.constant 0 : index
    %swap3A_245 = arith.constant 640 : index
    %swap3A_246 = vector.load %arg4[%swap3A_243, %swap3A_244, %swap3A_245] : memref<4x512x768xf32, #tpu.memory_space<vmem>>, vector<1x512x128xf32>
    %swap3A_247 = vector.shape_cast %swap3A_246 : vector<1x512x128xf32> to vector<512x128xf32>
    %swap3A_248 = vector.shape_cast %add3A_242 : vector<512x128xf32> to vector<1x512x128xf32>
    tpu.vector_store %arg4[%swap3A_243, %swap3A_244, %swap3A_245], %swap3A_248 {strides = array<i32>} : memref<4x512x768xf32, #tpu.memory_space<vmem>>, vector<1x512x128xf32>,
    %get3A_249 = arith.constant 1 : index
    %get3A_250 = arith.constant 0 : index
    %get3A_251 = arith.constant 512 : index
    %get3A_252 = vector.load %arg2[%get3A_249, %get3A_250, %get3A_251] : memref<4x512x768xf32, #tpu.memory_space<vmem>>, vector<1x512x128xf32>
    %get3A_253 = vector.shape_cast %get3A_252 : vector<1x512x128xf32> to vector<512x128xf32>
    %add3A_254 = arith.addf %get3A_253, %bitcast_convert_type3A_220 : vector<512x128xf32>
    %swap3A_255 = arith.constant 1 : index
    %swap3A_256 = arith.constant 0 : index
    %swap3A_257 = arith.constant 512 : index
    %swap3A_258 = vector.load %arg4[%swap3A_255, %swap3A_256, %swap3A_257] : memref<4x512x768xf32, #tpu.memory_space<vmem>>, vector<1x512x128xf32>
    %swap3A_259 = vector.shape_cast %swap3A_258 : vector<1x512x128xf32> to vector<512x128xf32>
    %swap3A_260 = vector.shape_cast %add3A_254 : vector<512x128xf32> to vector<1x512x128xf32>
    tpu.vector_store %arg4[%swap3A_255, %swap3A_256, %swap3A_257], %swap3A_260 {strides = array<i32>} : memref<4x512x768xf32, #tpu.memory_space<vmem>>, vector<1x512x128xf32>,
    %get3A_261 = arith.constant 1 : index
    %get3A_262 = arith.constant 0 : index
    %get3A_263 = arith.constant 640 : index
    %get3A_264 = vector.load %arg2[%get3A_261, %get3A_262, %get3A_263] : memref<4x512x768xf32, #tpu.memory_space<vmem>>, vector<1x512x128xf32>
    %get3A_265 = vector.shape_cast %get3A_264 : vector<1x512x128xf32> to vector<512x128xf32>
    %add3A_266 = arith.addf %get3A_265, %bitcast_convert_type3A_224 : vector<512x128xf32>
    %swap3A_267 = arith.constant 1 : index
    %swap3A_268 = arith.constant 0 : index
    %swap3A_269 = arith.constant 640 : index
    %swap3A_270 = vector.load %arg4[%swap3A_267, %swap3A_268, %swap3A_269] : memref<4x512x768xf32, #tpu.memory_space<vmem>>, vector<1x512x128xf32>
    %swap3A_271 = vector.shape_cast %swap3A_270 : vector<1x512x128xf32> to vector<512x128xf32>
    %swap3A_272 = vector.shape_cast %add3A_266 : vector<512x128xf32> to vector<1x512x128xf32>
    tpu.vector_store %arg4[%swap3A_267, %swap3A_268, %swap3A_269], %swap3A_272 {strides = array<i32>} : memref<4x512x768xf32, #tpu.memory_space<vmem>>, vector<1x512x128xf32>,
    %get3A_273 = arith.constant 2 : index
    %get3A_274 = arith.constant 0 : index
    %get3A_275 = arith.constant 512 : index
    %get3A_276 = vector.load %arg2[%get3A_273, %get3A_274, %get3A_275] : memref<4x512x768xf32, #tpu.memory_space<vmem>>, vector<1x512x128xf32>
    %get3A_277 = vector.shape_cast %get3A_276 : vector<1x512x128xf32> to vector<512x128xf32>
    %add3A_278 = arith.addf %get3A_277, %bitcast_convert_type3A_220 : vector<512x128xf32>
    %swap3A_279 = arith.constant 2 : index
    %swap3A_280 = arith.constant 0 : index
    %swap3A_281 = arith.constant 512 : index
    %swap3A_282 = vector.load %arg4[%swap3A_279, %swap3A_280, %swap3A_281] : memref<4x512x768xf32, #tpu.memory_space<vmem>>, vector<1x512x128xf32>
    %swap3A_283 = vector.shape_cast %swap3A_282 : vector<1x512x128xf32> to vector<512x128xf32>
    %swap3A_284 = vector.shape_cast %add3A_278 : vector<512x128xf32> to vector<1x512x128xf32>
    tpu.vector_store %arg4[%swap3A_279, %swap3A_280, %swap3A_281], %swap3A_284 {strides = array<i32>} : memref<4x512x768xf32, #tpu.memory_space<vmem>>, vector<1x512x128xf32>,
    %get3A_285 = arith.constant 2 : index
    %get3A_286 = arith.constant 0 : index
    %get3A_287 = arith.constant 640 : index
    %get3A_288 = vector.load %arg2[%get3A_285, %get3A_286, %get3A_287] : memref<4x512x768xf32, #tpu.memory_space<vmem>>, vector<1x512x128xf32>
    %get3A_289 = vector.shape_cast %get3A_288 : vector<1x512x128xf32> to vector<512x128xf32>
    %add3A_290 = arith.addf %get3A_289, %bitcast_convert_type3A_224 : vector<512x128xf32>
    %swap3A_291 = arith.constant 2 : index
    %swap3A_292 = arith.constant 0 : index
    %swap3A_293 = arith.constant 640 : index
    %swap3A_294 = vector.load %arg4[%swap3A_291, %swap3A_292, %swap3A_293] : memref<4x512x768xf32, #tpu.memory_space<vmem>>, vector<1x512x128xf32>
    %swap3A_295 = vector.shape_cast %swap3A_294 : vector<1x512x128xf32> to vector<512x128xf32>
    %swap3A_296 = vector.shape_cast %add3A_290 : vector<512x128xf32> to vector<1x512x128xf32>
    tpu.vector_store %arg4[%swap3A_291, %swap3A_292, %swap3A_293], %swap3A_296 {strides = array<i32>} : memref<4x512x768xf32, #tpu.memory_space<vmem>>, vector<1x512x128xf32>,
    %get3A_297 = arith.constant 3 : index
    %get3A_298 = arith.constant 0 : index
    %get3A_299 = arith.constant 512 : index
    %get3A_300 = vector.load %arg2[%get3A_297, %get3A_298, %get3A_299] : memref<4x512x768xf32, #tpu.memory_space<vmem>>, vector<1x512x128xf32>
    %get3A_301 = vector.shape_cast %get3A_300 : vector<1x512x128xf32> to vector<512x128xf32>
    %add3A_302 = arith.addf %get3A_301, %bitcast_convert_type3A_220 : vector<512x128xf32>
    %swap3A_303 = arith.constant 3 : index
    %swap3A_304 = arith.constant 0 : index
    %swap3A_305 = arith.constant 512 : index
    %swap3A_306 = vector.load %arg4[%swap3A_303, %swap3A_304, %swap3A_305] : memref<4x512x768xf32, #tpu.memory_space<vmem>>, vector<1x512x128xf32>
    %swap3A_307 = vector.shape_cast %swap3A_306 : vector<1x512x128xf32> to vector<512x128xf32>
    %swap3A_308 = vector.shape_cast %add3A_302 : vector<512x128xf32> to vector<1x512x128xf32>
    tpu.vector_store %arg4[%swap3A_303, %swap3A_304, %swap3A_305], %swap3A_308 {strides = array<i32>} : memref<4x512x768xf32, #tpu.memory_space<vmem>>, vector<1x512x128xf32>,
    %get3A_309 = arith.constant 3 : index
    %get3A_310 = arith.constant 0 : index
    %get3A_311 = arith.constant 640 : index
    %get3A_312 = vector.load %arg2[%get3A_309, %get3A_310, %get3A_311] : memref<4x512x768xf32, #tpu.memory_space<vmem>>, vector<1x512x128xf32>
    %get3A_313 = vector.shape_cast %get3A_312 : vector<1x512x128xf32> to vector<512x128xf32>
    %add3A_314 = arith.addf %get3A_313, %bitcast_convert_type3A_224 : vector<512x128xf32>
    %swap3A_315 = arith.constant 3 : index
    %swap3A_316 = arith.constant 0 : index
    %swap3A_317 = arith.constant 640 : index
    %swap3A_318 = vector.load %arg4[%swap3A_315, %swap3A_316, %swap3A_317] : memref<4x512x768xf32, #tpu.memory_space<vmem>>, vector<1x512x128xf32>
    %swap3A_319 = vector.shape_cast %swap3A_318 : vector<1x512x128xf32> to vector<512x128xf32>
    %swap3A_320 = vector.shape_cast %add3A_314 : vector<512x128xf32> to vector<1x512x128xf32>
    tpu.vector_store %arg4[%swap3A_315, %swap3A_316, %swap3A_317], %swap3A_320 {strides = array<i32>} : memref<4x512x768xf32, #tpu.memory_space<vmem>>, vector<1x512x128xf32>,
    return
  }
  func.func @transform_1(%arg0: i32) -> (i32, i32, i32) {
    %add3A = arith.constant 4 : i32
    %add3A_0 = arith.addi %arg0, %add3A : i32
    %c0_i32 = arith.constant 0 : i32
    %c0_i32_1 = arith.constant 0 : i32
    %c0_i32_2 = arith.constant 0 : i32
    return %c0_i32, %add3A_0, %c0_i32_1 : i32, i32, i32
  }
  func.func @transform_2(%arg0: i32) -> (i32, i32, i32) {
    %c0_i32 = arith.constant 0 : i32
    %c0_i32_0 = arith.constant 0 : i32
    %c0_i32_1 = arith.constant 0 : i32
    return %c0_i32, %arg0, %c0_i32_0 : i32, i32, i32
  }
  func.func @transform_3(%arg0: i32) -> (i32, i32, i32) {
    %add3A = arith.constant 4 : i32
    %add3A_0 = arith.addi %arg0, %add3A : i32
    %c0_i32 = arith.constant 0 : i32
    %c0_i32_1 = arith.constant 0 : i32
    %c0_i32_2 = arith.constant 0 : i32
    return %c0_i32, %add3A_0, %c0_i32_1 : i32, i32, i32
  }
}

module attributes {stable_mosaic.version = 14 : i64} {
  func.func @body(%arg0: i32, %arg1: memref<4x512x768xf32, #tpu.memory_space<vmem>>, %arg2: memref<3x1x512xi32, #tpu.memory_space<vmem>>, %arg3: memref<64x256xf32, #tpu.memory_space<vmem>>, %arg4: memref<4x512x768xf32, #tpu.memory_space<vmem>>) attributes {dimension_semantics = [#tpu.dimension_semantics<arbitrary>], iteration_bounds = array<i64: 4>, scalar_prefetch = 0 : i64, scratch_operands = 0 : i64, tpu.core_type = #tpu.core_type<tc>, window_params = [{transform_indices = @transform_0, window_bounds = array<i64: 4, 512, 768>}, {transform_indices = @transform_1, window_bounds = array<i64: 3, 1, 512>}, {pipeline_mode = #tpu.pipeline_mode<synchronous>, transform_indices = @transform_2, window_bounds = array<i64: 64, 256>}, {transform_indices = @transform_3, window_bounds = array<i64: 4, 512, 768>}]} {
    %get3A = arith.constant 0 : index
    %get3A_0 = arith.constant 0 : index
    %get3A_1 = vector.load %arg3[%get3A, %get3A_0] : memref<64x256xf32, #tpu.memory_space<vmem>>, vector<64x256xf32>
    %iota3A = tpu.iota {dimensions = array<i32: 1>} : vector<512x64xi32>
    %get3A_2 = arith.constant 0 : index
    %get3A_3 = arith.constant 0 : index
    %get3A_4 = arith.constant 0 : index
    %get3A_5 = vector.load %arg2[%get3A_2, %get3A_3, %get3A_4] : memref<3x1x512xi32, #tpu.memory_space<vmem>>, vector<1x1x512xi32>
    %get3A_6 = vector.shape_cast %get3A_5 : vector<1x1x512xi32> to vector<512xi32>
    %reshape3A = vector.shape_cast %get3A_6 : vector<512xi32> to vector<512x1xi32>
    %eq3A = vector.broadcast %reshape3A : vector<512x1xi32> to vector<512x64xi32>
    %eq3A_7 = arith.cmpi eq, %eq3A, %iota3A : vector<512x64xi32>
    %convert_element_type3A = arith.extui %eq3A_7 : vector<512x64xi1> to vector<512x64xi32>
    %convert_element_type3A_8 = arith.sitofp %convert_element_type3A : vector<512x64xi32> to vector<512x64xf32>
    %dot_general3A = arith.constant dense<0.000000e+00> : vector<512x256xf32>
    %dot_general3A_9 = tpu.matmul %convert_element_type3A_8, %get3A_1, %dot_general3A {dimension_numbers = #tpu.dot_dimension_numbers<[1], [0], [0], [1], [0, 0, 1, 1], [], []>, transpose_lhs_hint = false} : vector<512x64xf32>, vector<64x256xf32>, vector<512x256xf32> -> vector<512x256xf32>
    %get3A_10 = arith.constant 0 : index
    %get3A_11 = arith.constant 0 : index
    %get3A_12 = arith.constant 0 : index
    %get3A_13 = vector.load %arg1[%get3A_10, %get3A_11, %get3A_12] : memref<4x512x768xf32, #tpu.memory_space<vmem>>, vector<1x512x256xf32>
    %get3A_14 = vector.shape_cast %get3A_13 : vector<1x512x256xf32> to vector<512x256xf32>
    %add3A = arith.addf %get3A_14, %dot_general3A_9 : vector<512x256xf32>
    %swap3A = arith.constant 0 : index
    %swap3A_15 = arith.constant 0 : index
    %swap3A_16 = arith.constant 0 : index
    %swap3A_17 = vector.load %arg4[%swap3A, %swap3A_15, %swap3A_16] : memref<4x512x768xf32, #tpu.memory_space<vmem>>, vector<1x512x256xf32>
    %swap3A_18 = vector.shape_cast %swap3A_17 : vector<1x512x256xf32> to vector<512x256xf32>
    %swap3A_19 = vector.shape_cast %add3A : vector<512x256xf32> to vector<1x512x256xf32>
    tpu.vector_store %arg4[%swap3A, %swap3A_15, %swap3A_16], %swap3A_19 {strides = array<i32>} : memref<4x512x768xf32, #tpu.memory_space<vmem>>, vector<1x512x256xf32>,
    %get3A_20 = arith.constant 1 : index
    %get3A_21 = arith.constant 0 : index
    %get3A_22 = arith.constant 0 : index
    %get3A_23 = vector.load %arg1[%get3A_20, %get3A_21, %get3A_22] : memref<4x512x768xf32, #tpu.memory_space<vmem>>, vector<1x512x256xf32>
    %get3A_24 = vector.shape_cast %get3A_23 : vector<1x512x256xf32> to vector<512x256xf32>
    %add3A_25 = arith.addf %get3A_24, %dot_general3A_9 : vector<512x256xf32>
    %swap3A_26 = arith.constant 1 : index
    %swap3A_27 = arith.constant 0 : index
    %swap3A_28 = arith.constant 0 : index
    %swap3A_29 = vector.load %arg4[%swap3A_26, %swap3A_27, %swap3A_28] : memref<4x512x768xf32, #tpu.memory_space<vmem>>, vector<1x512x256xf32>
    %swap3A_30 = vector.shape_cast %swap3A_29 : vector<1x512x256xf32> to vector<512x256xf32>
    %swap3A_31 = vector.shape_cast %add3A_25 : vector<512x256xf32> to vector<1x512x256xf32>
    tpu.vector_store %arg4[%swap3A_26, %swap3A_27, %swap3A_28], %swap3A_31 {strides = array<i32>} : memref<4x512x768xf32, #tpu.memory_space<vmem>>, vector<1x512x256xf32>,
    %get3A_32 = arith.constant 2 : index
    %get3A_33 = arith.constant 0 : index
    %get3A_34 = arith.constant 0 : index
    %get3A_35 = vector.load %arg1[%get3A_32, %get3A_33, %get3A_34] : memref<4x512x768xf32, #tpu.memory_space<vmem>>, vector<1x512x256xf32>
    %get3A_36 = vector.shape_cast %get3A_35 : vector<1x512x256xf32> to vector<512x256xf32>
    %add3A_37 = arith.addf %get3A_36, %dot_general3A_9 : vector<512x256xf32>
    %swap3A_38 = arith.constant 2 : index
    %swap3A_39 = arith.constant 0 : index
    %swap3A_40 = arith.constant 0 : index
    %swap3A_41 = vector.load %arg4[%swap3A_38, %swap3A_39, %swap3A_40] : memref<4x512x768xf32, #tpu.memory_space<vmem>>, vector<1x512x256xf32>
    %swap3A_42 = vector.shape_cast %swap3A_41 : vector<1x512x256xf32> to vector<512x256xf32>
    %swap3A_43 = vector.shape_cast %add3A_37 : vector<512x256xf32> to vector<1x512x256xf32>
    tpu.vector_store %arg4[%swap3A_38, %swap3A_39, %swap3A_40], %swap3A_43 {strides = array<i32>} : memref<4x512x768xf32, #tpu.memory_space<vmem>>, vector<1x512x256xf32>,
    %get3A_44 = arith.constant 3 : index
    %get3A_45 = arith.constant 0 : index
    %get3A_46 = arith.constant 0 : index
    %get3A_47 = vector.load %arg1[%get3A_44, %get3A_45, %get3A_46] : memref<4x512x768xf32, #tpu.memory_space<vmem>>, vector<1x512x256xf32>
    %get3A_48 = vector.shape_cast %get3A_47 : vector<1x512x256xf32> to vector<512x256xf32>
    %add3A_49 = arith.addf %get3A_48, %dot_general3A_9 : vector<512x256xf32>
    %swap3A_50 = arith.constant 3 : index
    %swap3A_51 = arith.constant 0 : index
    %swap3A_52 = arith.constant 0 : index
    %swap3A_53 = vector.load %arg4[%swap3A_50, %swap3A_51, %swap3A_52] : memref<4x512x768xf32, #tpu.memory_space<vmem>>, vector<1x512x256xf32>
    %swap3A_54 = vector.shape_cast %swap3A_53 : vector<1x512x256xf32> to vector<512x256xf32>
    %swap3A_55 = vector.shape_cast %add3A_49 : vector<512x256xf32> to vector<1x512x256xf32>
    tpu.vector_store %arg4[%swap3A_50, %swap3A_51, %swap3A_52], %swap3A_55 {strides = array<i32>} : memref<4x512x768xf32, #tpu.memory_space<vmem>>, vector<1x512x256xf32>,
    %get3A_56 = arith.constant 1 : index
    %get3A_57 = arith.constant 0 : index
    %get3A_58 = arith.constant 0 : index
    %get3A_59 = vector.load %arg2[%get3A_56, %get3A_57, %get3A_58] : memref<3x1x512xi32, #tpu.memory_space<vmem>>, vector<1x1x512xi32>
    %get3A_60 = vector.shape_cast %get3A_59 : vector<1x1x512xi32> to vector<512xi32>
    %reshape3A_61 = vector.shape_cast %get3A_60 : vector<512xi32> to vector<512x1xi32>
    %eq3A_62 = vector.broadcast %reshape3A_61 : vector<512x1xi32> to vector<512x64xi32>
    %eq3A_63 = arith.cmpi eq, %eq3A_62, %iota3A : vector<512x64xi32>
    %convert_element_type3A_64 = arith.extui %eq3A_63 : vector<512x64xi1> to vector<512x64xi32>
    %convert_element_type3A_65 = arith.sitofp %convert_element_type3A_64 : vector<512x64xi32> to vector<512x64xf32>
    %dot_general3A_66 = arith.constant dense<0.000000e+00> : vector<512x256xf32>
    %dot_general3A_67 = tpu.matmul %convert_element_type3A_65, %get3A_1, %dot_general3A_66 {dimension_numbers = #tpu.dot_dimension_numbers<[1], [0], [0], [1], [0, 0, 1, 1], [], []>, transpose_lhs_hint = false} : vector<512x64xf32>, vector<64x256xf32>, vector<512x256xf32> -> vector<512x256xf32>
    %get3A_68 = arith.constant 0 : index
    %get3A_69 = arith.constant 0 : index
    %get3A_70 = arith.constant 256 : index
    %get3A_71 = vector.load %arg1[%get3A_68, %get3A_69, %get3A_70] : memref<4x512x768xf32, #tpu.memory_space<vmem>>, vector<1x512x256xf32>
    %get3A_72 = vector.shape_cast %get3A_71 : vector<1x512x256xf32> to vector<512x256xf32>
    %add3A_73 = arith.addf %get3A_72, %dot_general3A_67 : vector<512x256xf32>
    %swap3A_74 = arith.constant 0 : index
    %swap3A_75 = arith.constant 0 : index
    %swap3A_76 = arith.constant 256 : index
    %swap3A_77 = vector.load %arg4[%swap3A_74, %swap3A_75, %swap3A_76] : memref<4x512x768xf32, #tpu.memory_space<vmem>>, vector<1x512x256xf32>
    %swap3A_78 = vector.shape_cast %swap3A_77 : vector<1x512x256xf32> to vector<512x256xf32>
    %swap3A_79 = vector.shape_cast %add3A_73 : vector<512x256xf32> to vector<1x512x256xf32>
    tpu.vector_store %arg4[%swap3A_74, %swap3A_75, %swap3A_76], %swap3A_79 {strides = array<i32>} : memref<4x512x768xf32, #tpu.memory_space<vmem>>, vector<1x512x256xf32>,
    %get3A_80 = arith.constant 1 : index
    %get3A_81 = arith.constant 0 : index
    %get3A_82 = arith.constant 256 : index
    %get3A_83 = vector.load %arg1[%get3A_80, %get3A_81, %get3A_82] : memref<4x512x768xf32, #tpu.memory_space<vmem>>, vector<1x512x256xf32>
    %get3A_84 = vector.shape_cast %get3A_83 : vector<1x512x256xf32> to vector<512x256xf32>
    %add3A_85 = arith.addf %get3A_84, %dot_general3A_67 : vector<512x256xf32>
    %swap3A_86 = arith.constant 1 : index
    %swap3A_87 = arith.constant 0 : index
    %swap3A_88 = arith.constant 256 : index
    %swap3A_89 = vector.load %arg4[%swap3A_86, %swap3A_87, %swap3A_88] : memref<4x512x768xf32, #tpu.memory_space<vmem>>, vector<1x512x256xf32>
    %swap3A_90 = vector.shape_cast %swap3A_89 : vector<1x512x256xf32> to vector<512x256xf32>
    %swap3A_91 = vector.shape_cast %add3A_85 : vector<512x256xf32> to vector<1x512x256xf32>
    tpu.vector_store %arg4[%swap3A_86, %swap3A_87, %swap3A_88], %swap3A_91 {strides = array<i32>} : memref<4x512x768xf32, #tpu.memory_space<vmem>>, vector<1x512x256xf32>,
    %get3A_92 = arith.constant 2 : index
    %get3A_93 = arith.constant 0 : index
    %get3A_94 = arith.constant 256 : index
    %get3A_95 = vector.load %arg1[%get3A_92, %get3A_93, %get3A_94] : memref<4x512x768xf32, #tpu.memory_space<vmem>>, vector<1x512x256xf32>
    %get3A_96 = vector.shape_cast %get3A_95 : vector<1x512x256xf32> to vector<512x256xf32>
    %add3A_97 = arith.addf %get3A_96, %dot_general3A_67 : vector<512x256xf32>
    %swap3A_98 = arith.constant 2 : index
    %swap3A_99 = arith.constant 0 : index
    %swap3A_100 = arith.constant 256 : index
    %swap3A_101 = vector.load %arg4[%swap3A_98, %swap3A_99, %swap3A_100] : memref<4x512x768xf32, #tpu.memory_space<vmem>>, vector<1x512x256xf32>
    %swap3A_102 = vector.shape_cast %swap3A_101 : vector<1x512x256xf32> to vector<512x256xf32>
    %swap3A_103 = vector.shape_cast %add3A_97 : vector<512x256xf32> to vector<1x512x256xf32>
    tpu.vector_store %arg4[%swap3A_98, %swap3A_99, %swap3A_100], %swap3A_103 {strides = array<i32>} : memref<4x512x768xf32, #tpu.memory_space<vmem>>, vector<1x512x256xf32>,
    %get3A_104 = arith.constant 3 : index
    %get3A_105 = arith.constant 0 : index
    %get3A_106 = arith.constant 256 : index
    %get3A_107 = vector.load %arg1[%get3A_104, %get3A_105, %get3A_106] : memref<4x512x768xf32, #tpu.memory_space<vmem>>, vector<1x512x256xf32>
    %get3A_108 = vector.shape_cast %get3A_107 : vector<1x512x256xf32> to vector<512x256xf32>
    %add3A_109 = arith.addf %get3A_108, %dot_general3A_67 : vector<512x256xf32>
    %swap3A_110 = arith.constant 3 : index
    %swap3A_111 = arith.constant 0 : index
    %swap3A_112 = arith.constant 256 : index
    %swap3A_113 = vector.load %arg4[%swap3A_110, %swap3A_111, %swap3A_112] : memref<4x512x768xf32, #tpu.memory_space<vmem>>, vector<1x512x256xf32>
    %swap3A_114 = vector.shape_cast %swap3A_113 : vector<1x512x256xf32> to vector<512x256xf32>
    %swap3A_115 = vector.shape_cast %add3A_109 : vector<512x256xf32> to vector<1x512x256xf32>
    tpu.vector_store %arg4[%swap3A_110, %swap3A_111, %swap3A_112], %swap3A_115 {strides = array<i32>} : memref<4x512x768xf32, #tpu.memory_space<vmem>>, vector<1x512x256xf32>,
    %get3A_116 = arith.constant 2 : index
    %get3A_117 = arith.constant 0 : index
    %get3A_118 = arith.constant 0 : index
    %get3A_119 = vector.load %arg2[%get3A_116, %get3A_117, %get3A_118] : memref<3x1x512xi32, #tpu.memory_space<vmem>>, vector<1x1x512xi32>
    %get3A_120 = vector.shape_cast %get3A_119 : vector<1x1x512xi32> to vector<512xi32>
    %reshape3A_121 = vector.shape_cast %get3A_120 : vector<512xi32> to vector<512x1xi32>
    %eq3A_122 = vector.broadcast %reshape3A_121 : vector<512x1xi32> to vector<512x64xi32>
    %eq3A_123 = arith.cmpi eq, %eq3A_122, %iota3A : vector<512x64xi32>
    %convert_element_type3A_124 = arith.extui %eq3A_123 : vector<512x64xi1> to vector<512x64xi32>
    %convert_element_type3A_125 = arith.sitofp %convert_element_type3A_124 : vector<512x64xi32> to vector<512x64xf32>
    %dot_general3A_126 = arith.constant dense<0.000000e+00> : vector<512x256xf32>
    %dot_general3A_127 = tpu.matmul %convert_element_type3A_125, %get3A_1, %dot_general3A_126 {dimension_numbers = #tpu.dot_dimension_numbers<[1], [0], [0], [1], [0, 0, 1, 1], [], []>, transpose_lhs_hint = false} : vector<512x64xf32>, vector<64x256xf32>, vector<512x256xf32> -> vector<512x256xf32>
    %get3A_128 = arith.constant 0 : index
    %get3A_129 = arith.constant 0 : index
    %get3A_130 = arith.constant 512 : index
    %get3A_131 = vector.load %arg1[%get3A_128, %get3A_129, %get3A_130] : memref<4x512x768xf32, #tpu.memory_space<vmem>>, vector<1x512x256xf32>
    %get3A_132 = vector.shape_cast %get3A_131 : vector<1x512x256xf32> to vector<512x256xf32>
    %add3A_133 = arith.addf %get3A_132, %dot_general3A_127 : vector<512x256xf32>
    %swap3A_134 = arith.constant 0 : index
    %swap3A_135 = arith.constant 0 : index
    %swap3A_136 = arith.constant 512 : index
    %swap3A_137 = vector.load %arg4[%swap3A_134, %swap3A_135, %swap3A_136] : memref<4x512x768xf32, #tpu.memory_space<vmem>>, vector<1x512x256xf32>
    %swap3A_138 = vector.shape_cast %swap3A_137 : vector<1x512x256xf32> to vector<512x256xf32>
    %swap3A_139 = vector.shape_cast %add3A_133 : vector<512x256xf32> to vector<1x512x256xf32>
    tpu.vector_store %arg4[%swap3A_134, %swap3A_135, %swap3A_136], %swap3A_139 {strides = array<i32>} : memref<4x512x768xf32, #tpu.memory_space<vmem>>, vector<1x512x256xf32>,
    %get3A_140 = arith.constant 1 : index
    %get3A_141 = arith.constant 0 : index
    %get3A_142 = arith.constant 512 : index
    %get3A_143 = vector.load %arg1[%get3A_140, %get3A_141, %get3A_142] : memref<4x512x768xf32, #tpu.memory_space<vmem>>, vector<1x512x256xf32>
    %get3A_144 = vector.shape_cast %get3A_143 : vector<1x512x256xf32> to vector<512x256xf32>
    %add3A_145 = arith.addf %get3A_144, %dot_general3A_127 : vector<512x256xf32>
    %swap3A_146 = arith.constant 1 : index
    %swap3A_147 = arith.constant 0 : index
    %swap3A_148 = arith.constant 512 : index
    %swap3A_149 = vector.load %arg4[%swap3A_146, %swap3A_147, %swap3A_148] : memref<4x512x768xf32, #tpu.memory_space<vmem>>, vector<1x512x256xf32>
    %swap3A_150 = vector.shape_cast %swap3A_149 : vector<1x512x256xf32> to vector<512x256xf32>
    %swap3A_151 = vector.shape_cast %add3A_145 : vector<512x256xf32> to vector<1x512x256xf32>
    tpu.vector_store %arg4[%swap3A_146, %swap3A_147, %swap3A_148], %swap3A_151 {strides = array<i32>} : memref<4x512x768xf32, #tpu.memory_space<vmem>>, vector<1x512x256xf32>,
    %get3A_152 = arith.constant 2 : index
    %get3A_153 = arith.constant 0 : index
    %get3A_154 = arith.constant 512 : index
    %get3A_155 = vector.load %arg1[%get3A_152, %get3A_153, %get3A_154] : memref<4x512x768xf32, #tpu.memory_space<vmem>>, vector<1x512x256xf32>
    %get3A_156 = vector.shape_cast %get3A_155 : vector<1x512x256xf32> to vector<512x256xf32>
    %add3A_157 = arith.addf %get3A_156, %dot_general3A_127 : vector<512x256xf32>
    %swap3A_158 = arith.constant 2 : index
    %swap3A_159 = arith.constant 0 : index
    %swap3A_160 = arith.constant 512 : index
    %swap3A_161 = vector.load %arg4[%swap3A_158, %swap3A_159, %swap3A_160] : memref<4x512x768xf32, #tpu.memory_space<vmem>>, vector<1x512x256xf32>
    %swap3A_162 = vector.shape_cast %swap3A_161 : vector<1x512x256xf32> to vector<512x256xf32>
    %swap3A_163 = vector.shape_cast %add3A_157 : vector<512x256xf32> to vector<1x512x256xf32>
    tpu.vector_store %arg4[%swap3A_158, %swap3A_159, %swap3A_160], %swap3A_163 {strides = array<i32>} : memref<4x512x768xf32, #tpu.memory_space<vmem>>, vector<1x512x256xf32>,
    %get3A_164 = arith.constant 3 : index
    %get3A_165 = arith.constant 0 : index
    %get3A_166 = arith.constant 512 : index
    %get3A_167 = vector.load %arg1[%get3A_164, %get3A_165, %get3A_166] : memref<4x512x768xf32, #tpu.memory_space<vmem>>, vector<1x512x256xf32>
    %get3A_168 = vector.shape_cast %get3A_167 : vector<1x512x256xf32> to vector<512x256xf32>
    %add3A_169 = arith.addf %get3A_168, %dot_general3A_127 : vector<512x256xf32>
    %swap3A_170 = arith.constant 3 : index
    %swap3A_171 = arith.constant 0 : index
    %swap3A_172 = arith.constant 512 : index
    %swap3A_173 = vector.load %arg4[%swap3A_170, %swap3A_171, %swap3A_172] : memref<4x512x768xf32, #tpu.memory_space<vmem>>, vector<1x512x256xf32>
    %swap3A_174 = vector.shape_cast %swap3A_173 : vector<1x512x256xf32> to vector<512x256xf32>
    %swap3A_175 = vector.shape_cast %add3A_169 : vector<512x256xf32> to vector<1x512x256xf32>
    tpu.vector_store %arg4[%swap3A_170, %swap3A_171, %swap3A_172], %swap3A_175 {strides = array<i32>} : memref<4x512x768xf32, #tpu.memory_space<vmem>>, vector<1x512x256xf32>,
    return
  }
  func.func @transform_0(%arg0: i32) -> (i32, i32, i32) {
    %c0_i32 = arith.constant 0 : i32
    %c0_i32_0 = arith.constant 0 : i32
    %c0_i32_1 = arith.constant 0 : i32
    return %c0_i32, %arg0, %c0_i32_0 : i32, i32, i32
  }
  func.func @transform_1(%arg0: i32) -> (i32, i32, i32) {
    %c0_i32 = arith.constant 0 : i32
    %c0_i32_0 = arith.constant 0 : i32
    %c0_i32_1 = arith.constant 0 : i32
    return %c0_i32, %c0_i32_0, %arg0 : i32, i32, i32
  }
  func.func @transform_2(%arg0: i32) -> (i32, i32) {
    %c0_i32 = arith.constant 0 : i32
    %c0_i32_0 = arith.constant 0 : i32
    %c0_i32_1 = arith.constant 0 : i32
    return %c0_i32, %c0_i32_0 : i32, i32
  }
  func.func @transform_3(%arg0: i32) -> (i32, i32, i32) {
    %c0_i32 = arith.constant 0 : i32
    %c0_i32_0 = arith.constant 0 : i32
    %c0_i32_1 = arith.constant 0 : i32
    return %c0_i32, %arg0, %c0_i32_0 : i32, i32, i32
  }
}

</mosaic_0001>

<sc_bundles>
// kernel: kernel.5.cloned.1.call-start
scs
__scs_entry_jumppad:
0x0: {  	(pc) =	sbr.rel $0x88, $3  }
0x1: {  	(tag) =	ssettag $0x0;
	lr =	simm.s32 $0x1  }
0x2: {  	[smem:$0x3F96] =	sst lr;
	_ =	strace $0xD0000000  }
0x3: {  	_ = 	snop  }
0x4: {  	_ = 	snop  }
0x5: {  	_ = 	snop  }
0x6: {  	_ = 	snop  }
0x7: {  	_ = 	snop  }
__scs_overlays_trampoline_lowered:
0x8: {  	[smem:$0x3FA5] =	sst s0  }
0x9: {  	[smem:$0x3FA6] =	sst s1  }
0xa: {  	[smem:$0x3FA7] =	sst s2  }
0xb: {  	[smem:$0x3FA8] =	sst s3  }
0xc: {  	[smem:$0x3FA9] =	sst s4  }
0xd: {  	[smem:$0x3FAA] =	sst s5  }
0xe: {  	[smem:$0x3FAB] =	sst s6  }
0xf: {  	[smem:$0x3FAC] =	sst s7  }
0x10: {  	[smem:$0x3FAD] =	sst s8  }
0x11: {  	[smem:$0x3FAE] =	sst s9;
	s0 =	simm.s32 @!p0 $0x0  }
0x12: {  	s1 =	sld [smem:$0x3F94];
	s0 =	simm.s32 @p0 $0x1  }
0x13: {  	[smem:$0x3FAF] =	sst s0;
	s0 =	simm.s32 @!p1 $0x0  }
0x14: {  	s2 =	sld [smem:$0x3F93];
	s0 =	simm.s32 @p1 $0x1  }
0x15: {  	[smem:$0x3FB0] =	sst s0;
	s0 =	simm.s32 @!p2 $0x0  }
0x16: {  	s3 =	sld [smem:$0x3FDB];
	s0 =	simm.s32 @p2 $0x1  }
0x17: {  	s4 =	simm.s32 $0x1BF5;
	[smem:$0x3FB2] =	sst s0  }
0x18: {  	s0 =	sld [smem:$0x3F95];
	_ =	swait.ge [sflag:s4], $0x0  }
0x19: {  	s7 =	sld [smem:$0x3F96]  }
0x1a: {  	s8 =	sadd.s32 $0xFFFFE003, lr  }
0x1b: {  	s9 =	sadd.s32 $0xFFFFFEF7, lr;
	s5 =	simm.s32 $0xFFFFFFFF;
	p2 =	slt.u32 s8, $0xFFFFF086  }
0x1c: {  	p1 =	slt.u32 s9, $0xF7A;
	s5 =	simm.s32 @!p2 $0x0  }
0x1d: {  	s5 =	simm.s32 @p1 $0x1;
	p0 =	seq.s32 s7, s2  }
0x1e: {  	s7 =	smul.u32 @!p0 $0xF7A, s2;
	p2 =	seq.s32 @!p0 s5, $0x0  }
0x1f: {  	s9 =	smul.u32 $0xF7A, s1;
	s8 =	simm.s32 @!p0 $0x1BF5;
	p2 =	por !p2, p0  }
0x20: {  	[sflag:s8] =	ssyncset.s32 @!p0 $0xFFFFF086;
	s6 =	sadd.s32 @!p0 s3, s7;
	s7 =	simm.s32 @!p0 $0x108  }
0x21: {  	s3 =	sadd.s32 s3, s9;
	s6 =	sadd.s32 @!p0 $0x88, s6;
	s7 =	simm.s32 @p2 $0x1082  }
0x22: {  	[simem:s7], [sflag:s8] =	dma.local @!p0 [hbm:s6], $0xF7A  }
0x23: {  	s9 =	sor.u32 $0xD0000000, s2;
	s6 =	simm.s32 $0x108;
	_ =	swait.ge @!p0 [sflag:s8], $0x0  }
0x24: {  	s3 =	sadd.s32 $0x88, s3;
	s6 =	simm.s32 @!p1 $0x1082;
	[sflag:s4] =	ssyncset.s32 $0xFFFFF086  }
0x25: {  	[simem:s6], [sflag:s4] =	dma.local [hbm:s3], $0xF7A  }
0x26: {  	[smem:$0x3F96] =	sst s1;
	(tag) =	ssettag s2;
	_ =	strace s9  }
0x27: {  	s1 =	sld [smem:$0x3FA6]  }
0x28: {  	s2 =	sld [smem:$0x3FA7]  }
0x29: {  	s4 =	sld [smem:$0x3FA9]  }
0x2a: {  	p0 =	seq.s32 s5, $0x0;
	s5 =	sld [smem:$0x3FAA]  }
0x2b: {  	s6 =	sld [smem:$0x3FAB]  }
0x2c: {  	s7 =	sld [smem:$0x3FAC]  }
0x2d: {  	s3 =	simm.s32 $0x108;
	s8 =	sld [smem:$0x3FAD]  }
0x2e: {  	s3 =	simm.s32 @!p0 $0x1082;
	s9 =	sld [smem:$0x3FAE]  }
0x2f: {  	lr =	sadd.s32 s0, s3;
	s0 =	sld [smem:$0x3FA5]  }
0x30: {  	s3 =	sld [smem:$0x3FA8]  }
0x31: {  	[smem:$0x3FB1] =	sst s10  }
0x32: {  	s10 =	sld [smem:$0x3FAF];
	_ =	sdelay $0x3  }
0x33: {  	p0 =	seq.s32 s10, $0x1;
	s10 =	sld [smem:$0x3FB1];
	_ =	sdelay $0x3  }
0x34: {  	[smem:$0x3FB1] =	sst s10  }
0x35: {  	s10 =	sld [smem:$0x3FB0];
	_ =	sdelay $0x3  }
0x36: {  	p1 =	seq.s32 s10, $0x1;
	s10 =	sld [smem:$0x3FB1];
	_ =	sdelay $0x3  }
0x37: {  	[smem:$0x3FB1] =	sst s10  }
0x38: {  	s10 =	sld [smem:$0x3FB2]  }
0x39: {  	_ = 	snop;
	(pc) =	sbr.ind lr, $3  }
0x3a: {  	_ = 	snop  }
0x3b: {  	_ = 	snop  }
0x3c: {  	p2 =	seq.s32 s10, $0x1;
	s10 =	sld [smem:$0x3FB1]  }
0x3d: {  	_ =	shalt  }
0x3e: {  	_ =	shalt  }
0x3f: {  	_ =	shalt  }
0x40: {  	_ =	shalt  }
0x41: {  	_ =	shalt  }
0x42: {  	_ =	shalt  }
0x43: {  	_ =	shalt  }
0x44: {  	_ =	shalt  }
0x45: {  	_ =	shalt  }
0x46: {  	_ =	shalt  }
0x47: {  	_ =	shalt  }
0x48: {  	_ =	shalt  }
0x49: {  	_ =	shalt  }
0x4a: {  	_ =	shalt  }
0x4b: {  	_ =	shalt  }
0x4c: {  	_ =	shalt  }
0x4d: {  	_ =	shalt  }
0x4e: {  	_ =	shalt  }
0x4f: {  	_ =	shalt  }
0x50: {  	_ =	shalt  }
0x51: {  	_ =	shalt  }
0x52: {  	_ =	shalt  }
0x53: {  	_ =	shalt  }
0x54: {  	_ =	shalt  }
0x55: {  	_ =	shalt  }
0x56: {  	_ =	shalt  }
0x57: {  	_ =	shalt  }
0x58: {  	_ =	shalt  }
0x59: {  	_ =	shalt  }
0x5a: {  	_ =	shalt  }
0x5b: {  	_ =	shalt  }
0x5c: {  	_ =	shalt  }
0x5d: {  	_ =	shalt  }
0x5e: {  	_ =	shalt  }
0x5f: {  	_ =	shalt  }
0x60: {  	_ =	shalt  }
0x61: {  	_ =	shalt  }
0x62: {  	_ =	shalt  }
0x63: {  	_ =	shalt  }
0x64: {  	_ =	shalt  }
0x65: {  	_ =	shalt  }
0x66: {  	_ =	shalt  }
0x67: {  	_ =	shalt  }
0x68: {  	_ =	shalt  }
0x69: {  	_ =	shalt  }
0x6a: {  	_ =	shalt  }
0x6b: {  	_ =	shalt  }
0x6c: {  	_ =	shalt  }
0x6d: {  	_ =	shalt  }
0x6e: {  	_ =	shalt  }
0x6f: {  	_ =	shalt  }
0x70: {  	_ =	shalt  }
0x71: {  	_ =	shalt  }
0x72: {  	_ =	shalt  }
0x73: {  	_ =	shalt  }
0x74: {  	_ =	shalt  }
0x75: {  	_ =	shalt  }
0x76: {  	_ =	shalt  }
0x77: {  	_ =	shalt  }
0x78: {  	_ =	shalt  }
0x79: {  	_ =	shalt  }
0x7a: {  	_ =	shalt  }
0x7b: {  	_ =	shalt  }
0x7c: {  	_ =	shalt  }
0x7d: {  	_ =	shalt  }
0x7e: {  	_ =	shalt  }
0x7f: {  	_ =	shalt  }
0x80: {  	_ =	shalt  }
0x81: {  	_ =	shalt  }
0x82: {  	_ =	shalt  }
0x83: {  	_ =	shalt  }
0x84: {  	_ =	shalt  }
0x85: {  	_ =	shalt  }
0x86: {  	_ =	shalt  }
0x87: {  	_ =	shalt  }
.Lfunc_end0:
.L_simem_size_0:
called_computation_lowered:
.L_overlay_start_0:
0x88: {  	s2 =	sld [smem:$0x3FD9]  }
0x89: {  	s3 =	sld [smem:$0x3FFE];
	_ =	sdelay $0x1  }
0x8a: {  	s1 =	srdreg.scid  }
0x8b: {  	s0 =	sand.u32 $0x1, s1  }
0x8c: {  	s16 =	sshll.u32 s0, $0xA;
	s2 =	sadd.s32 s3, s2  }
0x8d: {  	s2 =	sadd.s32 s2, s16  }
0x8e: {  	[smem:$0x3FBD] =	sst s2  }
0x8f: {  	_ = 	snop  }
0x90: {  	(tm) =	ssettm $0x1  }
0x91: {  	s17 =	sld [smem:$0x3FFB];
	_ =	sdelay $0x3  }
0x92: {  	_ =	strace s17  }
0x93: {  	s2 =	sld [smem:$0x3FFC];
	_ =	sdelay $0x3  }
0x94: {  	_ =	strace s2  }
0x95: {  	s2 =	sld [smem:$0x3FFD];
	_ =	sdelay $0x3  }
0x96: {  	_ =	strace s2  }
0x97: {  	_ =	strace $0x8FFFFFFF  }
0x98: {  	s18 =	sld [smem:$0x3FDB];
	_ =	sdelay $0x1  }
0x99: {  	s19 =	simm.s32 $_scs_section_size  }
0x9a: {  	s4 =	simm.s32 $_size__tile_overlayer_lowered;
	s5 =	simm.s32 $_tile_overlayer_lowered  }
0x9b: {  	s22 =	simm.s32 $0x1BFF;
	s21 =	sshll.u32 s5, $0x1;
	s2 =	sadd.s32 s19, s18  }
0x9c: {  	s6 =	simm.s32 $0x0;
	s20 =	sshll.u32 s4, $0x1;
	s4 =	sadd.s32 s21, s2  }
0x9d: {  	[timem:s6], [sflag:s22] =	dma.local [hbm:s4], s20  }
0x9e: {  	_ =	swait.ge [sflag:s22], s20  }
0x9f: {  	s3 =	ssub.s32 $0x0, s20;
	[sflag:s22] =	ssyncset.done $0x0  }
0xa0: {  	[sflag:s22] =	ssyncadd.s32 s3;
	_ =	sdelay $0x1  }
0xa1: {  	s23 =	simm.s32 $0x1B8B  }
0xa2: {  	_ =	swait.ge [sflag:s23], $0x1  }
0xa3: {  	[sflag:s23] =	ssyncset.done $0x0  }
0xa4: {  	s25 =	simm.s32 $0x1B8E;
	s24 =	sld [smem:$0x3FFE];
	[sflag:s23] =	ssyncadd.s32 $0xFFFFFFFF  }
0xa5: {  	s26 =	simm.s32 $execute0_lowered;
	[smem:$0x3FD2] =	sst s25  }
0xa6: {  	s4 =	sshll.u32 s26, $0x1;
	_ =	strace $0x80000046;
	[dreg:$0x1] =	wrdreg $0xFFFFFFFF  }
0xa7: {  	s28 =	simm.s32 $_size_execute0_lowered;
	s2 =	sadd.s32 s2, s4;
	[dreg:$0x0] =	wrdreg $0x0  }
0xa8: {  	s4 =	sshll.u32 s28, $0x1;
	[dreg:$0x2] =	wrdreg s2  }
0xa9: {  	[dreg:$0x3] =	wrdreg s4  }
0xaa: {  	[dreg:$0x4] =	wrdreg $0xC0  }
0xab: {  	_ =	task [dreg:s6], $0x5FFFF  }
0xac: {  	[dreg:$0x1] =	wrdreg $0xFFFFFFFF  }
0xad: {  	[dreg:$0x0] =	wrdreg $0x60  }
0xae: {  	[dreg:$0x2] =	wrdreg s24  }
0xaf: {  	[dreg:$0x3] =	wrdreg $0x9  }
0xb0: {  	_ =	task.clear_ibuf [dreg:s6], $0x4FFFF;
	_ =	strace $0x90000046  }
0xb1: {  	s29 =	simm.s32 $0x9;
	_ =	strace $0x80000048  }
0xb2: {  	_ =	swait.ge [sflag:s29], $0x1  }
0xb3: {  	[sflag:s29] =	ssyncadd.s32 $0xFFFFFFFF  }
0xb4: {  	_ =	strace $0x90000048  }
0xb5: {  	_ =	sfence  }
0xb6: {  	s30 =	sld [smem:$0x0];
	_ =	sdelay $0x2  }
0xb7: {  	s31 =	sshll.u32 s1, $0xD;
	s1 =	sshrl.u32 s1, $0x2  }
0xb8: {  	s3 =	sand.u32 $0x4000, s31;
	s1 =	sadd.s32 s1, s30  }
0xb9: {  	s0 =	sor.u32 s3, s0;
	s1 =	sshll.u32 s1, $0x11  }
0xba: {  	s0 =	sor.u32 s1, s0  }
0xbb: {  	s0 =	sadd.s32 $0x8F2B, s0  }
0xbc: {  	[sflag:s0] =	ssyncadd.remote.s32 $0x1  }
0xbd: {  	_ =	sfence.sel $0xFFFF  }
0xbe: {  	[dreg:$0x0] =	wrdreg $0xFFFFFFFF;
	(pc) =	sbr.abs _section_cstart, $3  }
0xbf: {  	[dreg:$0x1] =	wrdreg $0xFFFFFFFF  }
0xc0: {  	_ =	task.clear_ibuf [dreg:s6], $0x2FFFF;
	_ =	strace $0x9FFFFFFF  }
0xc1: {  	(tm) =	ssettm $0x7FFFFFFF  }
tec
execute0_lowered:
.L_overlay_start_1:
0x0: {  	(tag) =	ssettag $0x1  }
0x1: {  	s1 =	srdreg.scid;
	s0 =	stileid.u32  }
0x2: {  	s6 =	sand.u32 $0x1, s1;
	s30 =	sshll.u32 s0, $0x1  }
0x3: {  	s9 =	rddreg [dreg:$0x0];
	s7 =	sor.u32 s6, s30  }
0x4: {  	s2 =	simm.s32 $0x0;
	s1 =	rddreg [dreg:$0x1];
	s3 =	smul.u32 $0x18, s7  }
0x5: {  	s8 =	simm.s32 $0x1;
	[smem:$0x7FF] =	sst s2;
	s5 =	sadd.s32 $0x1200, s9  }
0x6: {  	_ =	strace $0x80000047;
	s11 =	ssub.s32 $0x2, s6;
	s3 =	sadd.s32 s3, s9  }
0x7: {  	s6 =	simm.s32 $0xC0;
	s4 =	sadd.s32 $0xE00, s3;
	s3 =	simm.s32 $0x2  }
0x8: {  	[tilespmem:s2], [sflag:$0x2] =	stream.linear.gather [hbm4b:s4+s2], $0xC0, $0x38;
	[tilespmem:$0x6100] =	vst v63  }
0x9: {  	s10 =	smul.u32 $0xC00, s7;
	s12 =	sshrl.u32 s11, $0x1;
	_ =	swait.ge [sflag:s3], $0xC0  }
0xa: {  	s7 =	simm.s32 $0x100;
	s31 =	ssub.s32 s11, s12;
	[sflag:s3] =	ssyncset.done $0x0  }
0xb: {  	s9 =	sadd.s32 s10, s9;
	s10 =	smax.u32 s31, $0x1;
	[sflag:s3] =	ssyncadd.s32 $0xFFFFFF40  }
0xc: {  	[tilespmem:s7], [sflag:$0x1] =	stream.indirect.gather [hbm4b:s5+s6], $0x80, s2, s6, $0xb8;
	[tilespmem:$0x6100] =	vst v63  }
0xd: {  	p0 =	sne.s32 s10, $0x1;
	_ =	swait.ge [sflag:s8], $0x6000  }
.Ltmp0:
0xe: {  	[sflag:s8] =	ssyncset.done $0x0;
	(pc) =	sbr.rel @!p0 .LBB2_2-.Ltmp0, $4  }
0xf: {  	s9 =	sadd.s32 $0x1600, s9;
	[sflag:s8] =	ssyncadd.s32 $0xFFFFA000  }
0x10: {  	[hbm4b:s9+s2] =	stream.linear.scatter [tilespmem:s7], [sflag:$0x2], $0x6000, $0x38;
	[tilespmem:$0x6100] =	vst v63  }
0x11: {  	_ =	swait.ge [sflag:s3], $0x6000  }
0x12: {  	s10 =	sadd.s32 $0xFFFFFFFF, s10;
	[sflag:s3] =	ssyncset.done $0x0  }
.LBB2_1:
0x13: {  	p0 =	sne.s32 s10, $0x1;
	s10 =	sadd.s32 $0xFFFFFFFF, s10;
	[sflag:s3] =	ssyncadd.s32 $0xFFFFA000  }
0x14: {  	[tilespmem:s2], [sflag:$0x2] =	stream.linear.gather [hbm4b:s4+s2], $0xC0, $0x38;
	[tilespmem:$0x6100] =	vst v63  }
0x15: {  	_ =	swait.ge [sflag:s3], $0xC0  }
0x16: {  	[sflag:s3] =	ssyncset.done $0x0  }
0x17: {  	[sflag:s3] =	ssyncadd.s32 $0xFFFFFF40  }
0x18: {  	[tilespmem:s7], [sflag:$0x1] =	stream.indirect.gather [hbm4b:s5+s6], $0x80, s2, s6, $0xb8;
	[tilespmem:$0x6100] =	vst v63  }
0x19: {  	_ =	swait.ge [sflag:s8], $0x6000  }
.Ltmp1:
0x1a: {  	[sflag:s8] =	ssyncset.done $0x0;
	(pc) =	sbr.rel @p0 .LBB2_1-.Ltmp1, $4  }
0x1b: {  	[sflag:s8] =	ssyncadd.s32 $0xFFFFA000  }
0x1c: {  	[hbm4b:s9+s2] =	stream.linear.scatter [tilespmem:s7], [sflag:$0x2], $0x6000, $0x38;
	[tilespmem:$0x6100] =	vst v63  }
0x1d: {  	_ =	swait.ge [sflag:s3], $0x6000  }
0x1e: {  	[sflag:s3] =	ssyncset.done $0x0  }
.LBB2_2:
0x1f: {  	[sflag:s3] =	ssyncadd.s32 $0xFFFFA000  }
0x20: {  	_ =	sfence.sel $0x180000  }
0x21: {  	[bflag:$0x0] =	sbarrier.arrive $0xFFFF  }
0x22: {  	p0 =	sne.s32 s0, $0x0;
	_ =	strace $0x90000047  }
0x23: {  	s0 =	sadd.s32 @!p0 $0x100000, s1;
	[bflag:$0x2] =	sbarrier.arrive $0xFFFF  }
0x24: {  	[sflag:s0] =	ssyncadd.tile.s32 @!p0 $0x1;
	_ =	shalt  }
.Lfunc_end2:
_tile_overlayer_lowered:
.L_overlay_start_2:
0x25: {  	(tag) =	ssettag $0x2  }
0x26: {  	s0 =	rddreg [dreg:$0x0];
	s2 =	stileid.u32  }
0x27: {  	s1 =	rddreg [dreg:$0x1];
	p0 =	sne.s32 s2, $0x0  }
0x28: {  	s3 =	rddreg [dreg:$0x2];
	[bflag:$0x3] =	sbarrier.arrive $0xFFFF;
	s2 =	simm.s32 @!p0 $0x1C02  }
0x29: {  	[timem:s3], [sflag:s2] =	dma.local @!p0 [hbm:s0], s1  }
0x2a: {  	s0 =	simm.s32 @!p0 $0x2  }
0x2b: {  	_ =	swait.ge @!p0 [sflag:s0], s1  }
0x2c: {  	s1 =	ssub.s32 @!p0 $0x0, s1;
	[sflag:s0] =	ssyncset.done @!p0 $0x0  }
0x2d: {  	[sflag:s0] =	ssyncadd.s32 @!p0 s1  }
0x2e: {  	[bflag:$0x3] =	sbarrier.arrive $0xFFFF  }
0x2f: {  	_ =	shalt  }

</sc_bundles>
